<compile_context>
chip_gen: v7x
topology: tpu7x:2x2x1
jax: 0.10.2.dev20260603
libtpu: 0.0.44.dev20260713+nightly
codegen_flags: <defaults>
</compile_context>

<pallas_src>
import functools

import jax
import jax.numpy as jnp
from jax import lax
from jax.experimental import pallas as pl
from jax.experimental.pallas import tpu as pltpu
from jax.experimental.pallas import tpu_sc as plsc

_DIM = 256
_NE = 8192
_NTOK = 8192
_M_BLK = 256


def _dist_argmin_body(x_ref, e_ref, rn_ref, ind_ref, et_ref, cn_ref):
    i = pl.program_id(0)

    @pl.when(i == 0)
    def _():
        e = e_ref[...]
        cn_ref[...] = jnp.sum(e * e, axis=0, keepdims=True)

    et_ref[...] = e_ref[:, pl.ds(i * _M_BLK, _M_BLK)].T

    mm = lax.dot_general(
        x_ref[...], e_ref[...],
        dimension_numbers=(((1,), (0,)), ((), ())),
        preferred_element_type=jnp.float32,
    )
    rn = rn_ref[pl.ds(i * _M_BLK, _M_BLK), :]
    d = rn - 2.0 * mm + cn_ref[...]
    ind_ref[...] = jnp.argmin(d, axis=1).astype(jnp.int32)


def _dist_argmin(flatten, embed):
    rn = (flatten ** 2).sum(axis=1, keepdims=True)
    grid = (_NTOK // _M_BLK,)
    return pl.pallas_call(
        _dist_argmin_body,
        grid=grid,
        in_specs=[
            pl.BlockSpec((_M_BLK, _DIM), lambda i: (i, 0)),
            pl.BlockSpec((_DIM, _NE), lambda i: (0, 0)),
            pl.BlockSpec((_NTOK, 1), lambda i: (0, 0)),
        ],
        out_specs=[
            pl.BlockSpec((_M_BLK,), lambda i: (i,)),
            pl.BlockSpec((_M_BLK, _DIM), lambda i: (i, 0)),
        ],
        out_shape=[
            jax.ShapeDtypeStruct((_NTOK,), jnp.int32),
            jax.ShapeDtypeStruct((_NE, _DIM), jnp.float32),
        ],
        scratch_shapes=[pltpu.VMEM((1, _NE), jnp.float32)],
    )(flatten, embed, rn)


_NW = 32
_B_PER_W = _NTOK // _NW
_CHUNK = 64
_NCHUNK = _B_PER_W // _CHUNK


def _sc_gather_body(table_hbm, idx_hbm, x_hbm, qst_hbm, loss_hbm,
                    idx_v, rows0, rows1, x0, x1, acc_v,
                    gsem0, gsem1, xsem0, xsem1, ssem0, ssem1):
    wid = lax.axis_index("s") * 2 + lax.axis_index("c")
    base = wid * _B_PER_W
    rows = (rows0, rows1)
    xs = (x0, x1)
    gsems = (gsem0, gsem1)
    xsems = (xsem0, xsem1)
    ssems = (ssem0, ssem1)

    pltpu.sync_copy(idx_hbm.at[pl.ds(base, _B_PER_W)], idx_v)

    def start(h, slot):
        rb = base + h * _CHUNK
        pltpu.async_copy(table_hbm.at[idx_v.at[pl.ds(h * _CHUNK, _CHUNK)]],
                         rows[slot], gsems[slot])
        pltpu.async_copy(x_hbm.at[pl.ds(rb, _CHUNK)], xs[slot], xsems[slot])

    def wait_store(h):
        slot = h % 2
        pltpu.make_async_copy(
            rows[slot], qst_hbm.at[pl.ds(base + h * _CHUNK, _CHUNK)],
            ssems[slot]).wait()

    start(0, 0)
    acc = jnp.zeros((16,), jnp.float32)
    for h in range(_NCHUNK):
        slot = h % 2
        if h + 1 < _NCHUNK:
            if h >= 1:
                wait_store(h - 1)
            start(h + 1, (h + 1) % 2)
        pltpu.make_async_copy(table_hbm.at[idx_v.at[pl.ds(h * _CHUNK, _CHUNK)]],
                              rows[slot], gsems[slot]).wait()
        pltpu.make_async_copy(x_hbm.at[pl.ds(base + h * _CHUNK, _CHUNK)],
                              xs[slot], xsems[slot]).wait()

        def body(r, acc):
            for c in range(_DIM // 16):
                q = rows[slot][r, pl.ds(c * 16, 16)]
                xv = xs[slot][r, pl.ds(c * 16, 16)]
                dv = q - xv
                rows[slot][r, pl.ds(c * 16, 16)] = xv + dv
                acc = acc + dv * dv
            return acc

        acc = lax.fori_loop(0, _CHUNK, body, acc)
        pltpu.async_copy(rows[slot], qst_hbm.at[pl.ds(base + h * _CHUNK, _CHUNK)],
                         ssems[slot])
    wait_store(_NCHUNK - 2)
    wait_store(_NCHUNK - 1)
    acc_v[...] = acc
    pltpu.sync_copy(acc_v, loss_hbm.at[wid])


def _sc_gather(embed_t, ind_flat, flatten):
    mesh = plsc.VectorSubcoreMesh(core_axis_name="c", subcore_axis_name="s")
    fn = functools.partial(
        pl.kernel,
        mesh=mesh,
        out_type=[
            jax.ShapeDtypeStruct((_NTOK, _DIM), jnp.float32),
            jax.ShapeDtypeStruct((_NW, 16), jnp.float32),
        ],
        scratch_types=[
            pltpu.VMEM((_B_PER_W,), jnp.int32),
            pltpu.VMEM((_CHUNK, _DIM), jnp.float32),
            pltpu.VMEM((_CHUNK, _DIM), jnp.float32),
            pltpu.VMEM((_CHUNK, _DIM), jnp.float32),
            pltpu.VMEM((_CHUNK, _DIM), jnp.float32),
            pltpu.VMEM((16,), jnp.float32),
            pltpu.SemaphoreType.DMA,
            pltpu.SemaphoreType.DMA,
            pltpu.SemaphoreType.DMA,
            pltpu.SemaphoreType.DMA,
            pltpu.SemaphoreType.DMA,
            pltpu.SemaphoreType.DMA,
        ],
    )(_sc_gather_body)
    return fn(embed_t, ind_flat, flatten)


def kernel(input, embed):
    flatten = input.reshape(_NTOK, _DIM)
    ind_flat, embed_t = _dist_argmin(flatten, embed)
    qst_flat, loss_partials = _sc_gather(embed_t, ind_flat, flatten)
    quantize_st = qst_flat.reshape(input.shape)
    embed_ind = ind_flat.reshape(input.shape[:-1])
    commit_loss = jnp.sum(loss_partials) / jnp.float32(_NTOK * _DIM)
    return quantize_st, embed_ind, commit_loss

# --- scband reference (transcript-rebuilt; emitter-appended) ---
"""Pipeline reference for scband-vector-quantize-2808908612134 (READ-ONLY COPY).

The authoritative reference and input builder live on the scoring server;
editing this copy changes nothing except your own understanding.
"""

import jax, jax.numpy as jnp
import numpy as np

DIM = 256
N_EMBED = 8192

def setup_inputs(seed: int = 0) -> dict:
    key = jax.random.key(seed)
    k1, k2 = jax.random.split(key)
    inp = jax.random.normal(k1, (8, 1024, DIM), dtype=jnp.float32)
    # learned codebook buffer: embed has shape (dim, n_embed) as in the torch module
    embed = jax.random.normal(k2, (DIM, N_EMBED), dtype=jnp.float32)
    return {"input": inp, "embed": embed}

def reference(input, embed):
    commitment = 1.0
    flatten = input.reshape(-1, DIM)
    # dist[n, k] = ||x_n||^2 - 2 x_n . e_k + ||e_k||^2
    dist = (flatten ** 2).sum(axis=1, keepdims=True) \
           - 2.0 * (flatten @ embed) \
           + (embed ** 2).sum(axis=0, keepdims=True)
    embed_ind_flat = jnp.argmax(-dist, axis=1)
    embed_ind = embed_ind_flat.reshape(input.shape[:-1])
    # F.embedding(embed_ind, embed.T)
    quantize = jnp.take(embed.T, embed_ind, axis=0)
    # training-mode straight-through + commitment loss (EMA buffer updates are
    # side effects on buffers and do not affect the returned forward outputs)
    commit_loss = jnp.mean((jax.lax.stop_gradient(quantize) - input) ** 2) * commitment
    quantize_st = input + jax.lax.stop_gradient(quantize - input)
    return (quantize_st, embed_ind, commit_loss)

if __name__ == "__main__":
    import jax
    _d = setup_inputs()
    print(jax.jit(kernel)(*tuple(_d.values())))

</pallas_src>

<mosaic_0001>
#map = affine_map<(d0, d1) -> (0, 0)>
#map1 = affine_map<(d0, d1) -> (0)>
module attributes {stable_mosaic.version = 14 : i64} {
  func.func @_sc_gather_body(%arg0: i32, %arg1: i32, %arg2: memref<8192x256xf32, #tpu.memory_space<hbm>>, %arg3: memref<8192xi32, #tpu.memory_space<hbm>>, %arg4: memref<8192x256xf32, #tpu.memory_space<hbm>>, %arg5: memref<8192x256xf32, #tpu.memory_space<hbm>>, %arg6: memref<32x16xf32, #tpu.memory_space<hbm>>, %arg7: memref<256xi32, #tpu.memory_space<vmem>>, %arg8: memref<64x256xf32, #tpu.memory_space<vmem>>, %arg9: memref<64x256xf32, #tpu.memory_space<vmem>>, %arg10: memref<64x256xf32, #tpu.memory_space<vmem>>, %arg11: memref<64x256xf32, #tpu.memory_space<vmem>>, %arg12: memref<16xf32, #tpu.memory_space<vmem>>, %arg13: memref<!tpu.dma_semaphore, #tpu.memory_space<semaphore_mem>>, %arg14: memref<!tpu.dma_semaphore, #tpu.memory_space<semaphore_mem>>, %arg15: memref<!tpu.dma_semaphore, #tpu.memory_space<semaphore_mem>>, %arg16: memref<!tpu.dma_semaphore, #tpu.memory_space<semaphore_mem>>, %arg17: memref<!tpu.dma_semaphore, #tpu.memory_space<semaphore_mem>>, %arg18: memref<!tpu.dma_semaphore, #tpu.memory_space<semaphore_mem>>) attributes {dimension_semantics = [#tpu.dimension_semantics<core_parallel>, #tpu.dimension_semantics<subcore_parallel>], iteration_bounds = array<i64: 2, 16>, scalar_prefetch = 0 : i64, scratch_operands = 12 : i64, tpu.core_type = #tpu.core_type<sc_vector_subcore>, window_params = [{transform_indices = #map}, {transform_indices = #map1}, {transform_indices = #map}, {transform_indices = #map}, {transform_indices = #map}]} {
    %mul3A = arith.constant 2 : i32
    %mul3A_0 = arith.muli %arg1, %mul3A : i32
    %add3A = arith.addi %mul3A_0, %arg0 : i32
    %mul3A_1 = arith.constant 256 : i32
    %mul3A_2 = arith.muli %add3A, %mul3A_1 : i32
    "tpu.region"() ({
      %run_scoped3A = tpu.sem_alloc : memref<!tpu.dma_semaphore, #tpu.memory_space<semaphore_mem>>
      %dma_start3A_164 = tpu.memref_slice %arg3[%mul3A_2] : memref<8192xi32, #tpu.memory_space<hbm>> -> memref<256xi32, #tpu.memory_space<hbm>>
      %dma_start3A_165 = tpu.memref_slice %arg3[%mul3A_2] : memref<8192xi32, #tpu.memory_space<hbm>> -> memref<256xi32, #tpu.memory_space<hbm>>
      tpu.enqueue_dma source(%dma_start3A_165 : memref<256xi32, #tpu.memory_space<hbm>>) target(%arg7 : memref<256xi32, #tpu.memory_space<vmem>>) target_semaphore(%run_scoped3A : memref<!tpu.dma_semaphore, #tpu.memory_space<semaphore_mem>>)
      %dma_wait3A_166 = tpu.memref_slice %arg3[%mul3A_2] : memref<8192xi32, #tpu.memory_space<hbm>> -> memref<256xi32, #tpu.memory_space<hbm>>
      %dma_wait3A_167 = tpu.memref_slice %arg3[%mul3A_2] : memref<8192xi32, #tpu.memory_space<hbm>> -> memref<256xi32, #tpu.memory_space<hbm>>
      tpu.wait_dma2 semaphore(%run_scoped3A : memref<!tpu.dma_semaphore, #tpu.memory_space<semaphore_mem>>) src(%dma_wait3A_167 : memref<256xi32, #tpu.memory_space<hbm>>) dst(%arg7 : memref<256xi32, #tpu.memory_space<vmem>>)
      tpu.yield
    }) : () -> ()
    %add3A_3 = arith.constant 0 : i32
    %add3A_4 = arith.addi %mul3A_2, %add3A_3 : i32
    %dma_start3A = arith.constant 0 : i32
    %dma_start3A_5 = tpu.memref_slice %arg7[%dma_start3A] : memref<256xi32, #tpu.memory_space<vmem>> -> memref<64xi32, #tpu.memory_space<vmem>>
    %dma_start3A_6 = arith.constant 0 : i32
    %dma_start3A_7 = arith.constant 0 : i32
    %dma_start3A_8 = tpu.memref_slice %arg2[%dma_start3A_6, %dma_start3A_7] : memref<8192x256xf32, #tpu.memory_space<hbm>> -> memref<8192x256xf32, #tpu.memory_space<hbm>>
    tpu.enqueue_indirect_dma source(%dma_start3A_8 : memref<8192x256xf32, #tpu.memory_space<hbm>>) target(%arg8 : memref<64x256xf32, #tpu.memory_space<vmem>>) offsets(%dma_start3A_5 : memref<64xi32, #tpu.memory_space<vmem>>) semaphore(%arg13 : memref<!tpu.dma_semaphore, #tpu.memory_space<semaphore_mem>>)
    %dma_start3A_9 = arith.constant 0 : i32
    %dma_start3A_10 = tpu.memref_slice %arg4[%add3A_4, %dma_start3A_9] : memref<8192x256xf32, #tpu.memory_space<hbm>> -> memref<64x256xf32, #tpu.memory_space<hbm>>
    %dma_start3A_11 = arith.constant 0 : i32
    %dma_start3A_12 = tpu.memref_slice %arg4[%add3A_4, %dma_start3A_11] : memref<8192x256xf32, #tpu.memory_space<hbm>> -> memref<64x256xf32, #tpu.memory_space<hbm>>
    tpu.enqueue_dma source(%dma_start3A_12 : memref<64x256xf32, #tpu.memory_space<hbm>>) target(%arg10 : memref<64x256xf32, #tpu.memory_space<vmem>>) target_semaphore(%arg15 : memref<!tpu.dma_semaphore, #tpu.memory_space<semaphore_mem>>)
    %broadcast_in_dim3A = arith.constant 0.000000e+00 : f32
    %broadcast_in_dim3A_13 = vector.broadcast %broadcast_in_dim3A : f32 to vector<16xf32>
    %add3A_14 = arith.constant 64 : i32
    %add3A_15 = arith.addi %mul3A_2, %add3A_14 : i32
    %dma_start3A_16 = arith.constant 64 : i32
    %dma_start3A_17 = tpu.memref_slice %arg7[%dma_start3A_16] : memref<256xi32, #tpu.memory_space<vmem>> -> memref<64xi32, #tpu.memory_space<vmem>>
    %dma_start3A_18 = arith.constant 0 : i32
    %dma_start3A_19 = arith.constant 0 : i32
    %dma_start3A_20 = tpu.memref_slice %arg2[%dma_start3A_18, %dma_start3A_19] : memref<8192x256xf32, #tpu.memory_space<hbm>> -> memref<8192x256xf32, #tpu.memory_space<hbm>>
    tpu.enqueue_indirect_dma source(%dma_start3A_20 : memref<8192x256xf32, #tpu.memory_space<hbm>>) target(%arg9 : memref<64x256xf32, #tpu.memory_space<vmem>>) offsets(%dma_start3A_17 : memref<64xi32, #tpu.memory_space<vmem>>) semaphore(%arg14 : memref<!tpu.dma_semaphore, #tpu.memory_space<semaphore_mem>>)
    %dma_start3A_21 = arith.constant 0 : i32
    %dma_start3A_22 = tpu.memref_slice %arg4[%add3A_15, %dma_start3A_21] : memref<8192x256xf32, #tpu.memory_space<hbm>> -> memref<64x256xf32, #tpu.memory_space<hbm>>
    %dma_start3A_23 = arith.constant 0 : i32
    %dma_start3A_24 = tpu.memref_slice %arg4[%add3A_15, %dma_start3A_23] : memref<8192x256xf32, #tpu.memory_space<hbm>> -> memref<64x256xf32, #tpu.memory_space<hbm>>
    tpu.enqueue_dma source(%dma_start3A_24 : memref<64x256xf32, #tpu.memory_space<hbm>>) target(%arg11 : memref<64x256xf32, #tpu.memory_space<vmem>>) target_semaphore(%arg16 : memref<!tpu.dma_semaphore, #tpu.memory_space<semaphore_mem>>)
    %dma_wait3A = arith.constant 0 : i32
    %dma_wait3A_25 = tpu.memref_slice %arg7[%dma_wait3A] : memref<256xi32, #tpu.memory_space<vmem>> -> memref<64xi32, #tpu.memory_space<vmem>>
    %dma_wait3A_26 = arith.constant 0 : i32
    %dma_wait3A_27 = arith.constant 0 : i32
    %dma_wait3A_28 = tpu.memref_slice %arg2[%dma_wait3A_26, %dma_wait3A_27] : memref<8192x256xf32, #tpu.memory_space<hbm>> -> memref<8192x256xf32, #tpu.memory_space<hbm>>
    tpu.wait_indirect_dma semaphore(%arg13 : memref<!tpu.dma_semaphore, #tpu.memory_space<semaphore_mem>>) src(%dma_wait3A_28 : memref<8192x256xf32, #tpu.memory_space<hbm>>) dst(%arg8 : memref<64x256xf32, #tpu.memory_space<vmem>>)
    %add3A_29 = arith.constant 0 : i32
    %add3A_30 = arith.addi %mul3A_2, %add3A_29 : i32
    %dma_wait3A_31 = arith.constant 0 : i32
    %dma_wait3A_32 = tpu.memref_slice %arg4[%add3A_30, %dma_wait3A_31] : memref<8192x256xf32, #tpu.memory_space<hbm>> -> memref<64x256xf32, #tpu.memory_space<hbm>>
    %dma_wait3A_33 = arith.constant 0 : i32
    %dma_wait3A_34 = tpu.memref_slice %arg4[%add3A_30, %dma_wait3A_33] : memref<8192x256xf32, #tpu.memory_space<hbm>> -> memref<64x256xf32, #tpu.memory_space<hbm>>
    tpu.wait_dma2 semaphore(%arg15 : memref<!tpu.dma_semaphore, #tpu.memory_space<semaphore_mem>>) src(%dma_wait3A_34 : memref<64x256xf32, #tpu.memory_space<hbm>>) dst(%arg10 : memref<64x256xf32, #tpu.memory_space<vmem>>)
    %scan3A = arith.constant 0 : i32
    %scan3A_35 = arith.constant 64 : i32
    %scan3A_36 = arith.addi %scan3A, %scan3A_35 : i32
    %scan3A_37 = arith.constant 1 : i32
    %scan3A_38 = scf.for %scan3A_164 = %scan3A to %scan3A_36 step %scan3A_37 iter_args(%scan3A_165 = %broadcast_in_dim3A_13) -> (vector<16xf32>)  : i32 {
      %get3A = arith.index_cast %scan3A_164 : i32 to index
      %get3A_166 = arith.constant 0 : index
      %get3A_167 = tpu.vector_load %arg8[%get3A, %get3A_166] {strides = array<i32>} : memref<64x256xf32, #tpu.memory_space<vmem>>, vector<1x16xf32>,
      %get3A_168 = vector.shape_cast %get3A_167 : vector<1x16xf32> to vector<16xf32>
      %get3A_169 = arith.index_cast %scan3A_164 : i32 to index
      %get3A_170 = arith.constant 0 : index
      %get3A_171 = tpu.vector_load %arg10[%get3A_169, %get3A_170] {strides = array<i32>} : memref<64x256xf32, #tpu.memory_space<vmem>>, vector<1x16xf32>,
      %get3A_172 = vector.shape_cast %get3A_171 : vector<1x16xf32> to vector<16xf32>
      %sub3A = arith.subf %get3A_168, %get3A_172 : vector<16xf32>
      %add3A_173 = arith.addf %get3A_172, %sub3A : vector<16xf32>
      %swap3A_174 = arith.index_cast %scan3A_164 : i32 to index
      %swap3A_175 = arith.constant 0 : index
      %swap3A_176 = tpu.vector_load %arg8[%swap3A_174, %swap3A_175] {strides = array<i32>} : memref<64x256xf32, #tpu.memory_space<vmem>>, vector<1x16xf32>,
      %swap3A_177 = vector.shape_cast %swap3A_176 : vector<1x16xf32> to vector<16xf32>
      %swap3A_178 = vector.shape_cast %add3A_173 : vector<16xf32> to vector<1x16xf32>
      tpu.vector_store %arg8[%swap3A_174, %swap3A_175], %swap3A_178 {strides = array<i32>} : memref<64x256xf32, #tpu.memory_space<vmem>>, vector<1x16xf32>,
      %mul3A_179 = arith.mulf %sub3A, %sub3A : vector<16xf32>
      %add3A_180 = arith.addf %scan3A_165, %mul3A_179 : vector<16xf32>
      %get3A_181 = arith.index_cast %scan3A_164 : i32 to index
      %get3A_182 = arith.constant 16 : index
      %get3A_183 = tpu.vector_load %arg8[%get3A_181, %get3A_182] {strides = array<i32>} : memref<64x256xf32, #tpu.memory_space<vmem>>, vector<1x16xf32>,
      %get3A_184 = vector.shape_cast %get3A_183 : vector<1x16xf32> to vector<16xf32>
      %get3A_185 = arith.index_cast %scan3A_164 : i32 to index
      %get3A_186 = arith.constant 16 : index
      %get3A_187 = tpu.vector_load %arg10[%get3A_185, %get3A_186] {strides = array<i32>} : memref<64x256xf32, #tpu.memory_space<vmem>>, vector<1x16xf32>,
      %get3A_188 = vector.shape_cast %get3A_187 : vector<1x16xf32> to vector<16xf32>
      %sub3A_189 = arith.subf %get3A_184, %get3A_188 : vector<16xf32>
      %add3A_190 = arith.addf %get3A_188, %sub3A_189 : vector<16xf32>
      %swap3A_191 = arith.index_cast %scan3A_164 : i32 to index
      %swap3A_192 = arith.constant 16 : index
      %swap3A_193 = tpu.vector_load %arg8[%swap3A_191, %swap3A_192] {strides = array<i32>} : memref<64x256xf32, #tpu.memory_space<vmem>>, vector<1x16xf32>,
      %swap3A_194 = vector.shape_cast %swap3A_193 : vector<1x16xf32> to vector<16xf32>
      %swap3A_195 = vector.shape_cast %add3A_190 : vector<16xf32> to vector<1x16xf32>
      tpu.vector_store %arg8[%swap3A_191, %swap3A_192], %swap3A_195 {strides = array<i32>} : memref<64x256xf32, #tpu.memory_space<vmem>>, vector<1x16xf32>,
      %mul3A_196 = arith.mulf %sub3A_189, %sub3A_189 : vector<16xf32>
      %add3A_197 = arith.addf %add3A_180, %mul3A_196 : vector<16xf32>
      %get3A_198 = arith.index_cast %scan3A_164 : i32 to index
      %get3A_199 = arith.constant 32 : index
      %get3A_200 = tpu.vector_load %arg8[%get3A_198, %get3A_199] {strides = array<i32>} : memref<64x256xf32, #tpu.memory_space<vmem>>, vector<1x16xf32>,
      %get3A_201 = vector.shape_cast %get3A_200 : vector<1x16xf32> to vector<16xf32>
      %get3A_202 = arith.index_cast %scan3A_164 : i32 to index
      %get3A_203 = arith.constant 32 : index
      %get3A_204 = tpu.vector_load %arg10[%get3A_202, %get3A_203] {strides = array<i32>} : memref<64x256xf32, #tpu.memory_space<vmem>>, vector<1x16xf32>,
      %get3A_205 = vector.shape_cast %get3A_204 : vector<1x16xf32> to vector<16xf32>
      %sub3A_206 = arith.subf %get3A_201, %get3A_205 : vector<16xf32>
      %add3A_207 = arith.addf %get3A_205, %sub3A_206 : vector<16xf32>
      %swap3A_208 = arith.index_cast %scan3A_164 : i32 to index
      %swap3A_209 = arith.constant 32 : index
      %swap3A_210 = tpu.vector_load %arg8[%swap3A_208, %swap3A_209] {strides = array<i32>} : memref<64x256xf32, #tpu.memory_space<vmem>>, vector<1x16xf32>,
      %swap3A_211 = vector.shape_cast %swap3A_210 : vector<1x16xf32> to vector<16xf32>
      %swap3A_212 = vector.shape_cast %add3A_207 : vector<16xf32> to vector<1x16xf32>
      tpu.vector_store %arg8[%swap3A_208, %swap3A_209], %swap3A_212 {strides = array<i32>} : memref<64x256xf32, #tpu.memory_space<vmem>>, vector<1x16xf32>,
      %mul3A_213 = arith.mulf %sub3A_206, %sub3A_206 : vector<16xf32>
      %add3A_214 = arith.addf %add3A_197, %mul3A_213 : vector<16xf32>
      %get3A_215 = arith.index_cast %scan3A_164 : i32 to index
      %get3A_216 = arith.constant 48 : index
      %get3A_217 = tpu.vector_load %arg8[%get3A_215, %get3A_216] {strides = array<i32>} : memref<64x256xf32, #tpu.memory_space<vmem>>, vector<1x16xf32>,
      %get3A_218 = vector.shape_cast %get3A_217 : vector<1x16xf32> to vector<16xf32>
      %get3A_219 = arith.index_cast %scan3A_164 : i32 to index
      %get3A_220 = arith.constant 48 : index
      %get3A_221 = tpu.vector_load %arg10[%get3A_219, %get3A_220] {strides = array<i32>} : memref<64x256xf32, #tpu.memory_space<vmem>>, vector<1x16xf32>,
      %get3A_222 = vector.shape_cast %get3A_221 : vector<1x16xf32> to vector<16xf32>
      %sub3A_223 = arith.subf %get3A_218, %get3A_222 : vector<16xf32>
      %add3A_224 = arith.addf %get3A_222, %sub3A_223 : vector<16xf32>
      %swap3A_225 = arith.index_cast %scan3A_164 : i32 to index
      %swap3A_226 = arith.constant 48 : index
      %swap3A_227 = tpu.vector_load %arg8[%swap3A_225, %swap3A_226] {strides = array<i32>} : memref<64x256xf32, #tpu.memory_space<vmem>>, vector<1x16xf32>,
      %swap3A_228 = vector.shape_cast %swap3A_227 : vector<1x16xf32> to vector<16xf32>
      %swap3A_229 = vector.shape_cast %add3A_224 : vector<16xf32> to vector<1x16xf32>
      tpu.vector_store %arg8[%swap3A_225, %swap3A_226], %swap3A_229 {strides = array<i32>} : memref<64x256xf32, #tpu.memory_space<vmem>>, vector<1x16xf32>,
      %mul3A_230 = arith.mulf %sub3A_223, %sub3A_223 : vector<16xf32>
      %add3A_231 = arith.addf %add3A_214, %mul3A_230 : vector<16xf32>
      %get3A_232 = arith.index_cast %scan3A_164 : i32 to index
      %get3A_233 = arith.constant 64 : index
      %get3A_234 = tpu.vector_load %arg8[%get3A_232, %get3A_233] {strides = array<i32>} : memref<64x256xf32, #tpu.memory_space<vmem>>, vector<1x16xf32>,
      %get3A_235 = vector.shape_cast %get3A_234 : vector<1x16xf32> to vector<16xf32>
      %get3A_236 = arith.index_cast %scan3A_164 : i32 to index
      %get3A_237 = arith.constant 64 : index
      %get3A_238 = tpu.vector_load %arg10[%get3A_236, %get3A_237] {strides = array<i32>} : memref<64x256xf32, #tpu.memory_space<vmem>>, vector<1x16xf32>,
      %get3A_239 = vector.shape_cast %get3A_238 : vector<1x16xf32> to vector<16xf32>
      %sub3A_240 = arith.subf %get3A_235, %get3A_239 : vector<16xf32>
      %add3A_241 = arith.addf %get3A_239, %sub3A_240 : vector<16xf32>
      %swap3A_242 = arith.index_cast %scan3A_164 : i32 to index
      %swap3A_243 = arith.constant 64 : index
      %swap3A_244 = tpu.vector_load %arg8[%swap3A_242, %swap3A_243] {strides = array<i32>} : memref<64x256xf32, #tpu.memory_space<vmem>>, vector<1x16xf32>,
      %swap3A_245 = vector.shape_cast %swap3A_244 : vector<1x16xf32> to vector<16xf32>
      %swap3A_246 = vector.shape_cast %add3A_241 : vector<16xf32> to vector<1x16xf32>
      tpu.vector_store %arg8[%swap3A_242, %swap3A_243], %swap3A_246 {strides = array<i32>} : memref<64x256xf32, #tpu.memory_space<vmem>>, vector<1x16xf32>,
      %mul3A_247 = arith.mulf %sub3A_240, %sub3A_240 : vector<16xf32>
      %add3A_248 = arith.addf %add3A_231, %mul3A_247 : vector<16xf32>
      %get3A_249 = arith.index_cast %scan3A_164 : i32 to index
      %get3A_250 = arith.constant 80 : index
      %get3A_251 = tpu.vector_load %arg8[%get3A_249, %get3A_250] {strides = array<i32>} : memref<64x256xf32, #tpu.memory_space<vmem>>, vector<1x16xf32>,
      %get3A_252 = vector.shape_cast %get3A_251 : vector<1x16xf32> to vector<16xf32>
      %get3A_253 = arith.index_cast %scan3A_164 : i32 to index
      %get3A_254 = arith.constant 80 : index
      %get3A_255 = tpu.vector_load %arg10[%get3A_253, %get3A_254] {strides = array<i32>} : memref<64x256xf32, #tpu.memory_space<vmem>>, vector<1x16xf32>,
      %get3A_256 = vector.shape_cast %get3A_255 : vector<1x16xf32> to vector<16xf32>
      %sub3A_257 = arith.subf %get3A_252, %get3A_256 : vector<16xf32>
      %add3A_258 = arith.addf %get3A_256, %sub3A_257 : vector<16xf32>
      %swap3A_259 = arith.index_cast %scan3A_164 : i32 to index
      %swap3A_260 = arith.constant 80 : index
      %swap3A_261 = tpu.vector_load %arg8[%swap3A_259, %swap3A_260] {strides = array<i32>} : memref<64x256xf32, #tpu.memory_space<vmem>>, vector<1x16xf32>,
      %swap3A_262 = vector.shape_cast %swap3A_261 : vector<1x16xf32> to vector<16xf32>
      %swap3A_263 = vector.shape_cast %add3A_258 : vector<16xf32> to vector<1x16xf32>
      tpu.vector_store %arg8[%swap3A_259, %swap3A_260], %swap3A_263 {strides = array<i32>} : memref<64x256xf32, #tpu.memory_space<vmem>>, vector<1x16xf32>,
      %mul3A_264 = arith.mulf %sub3A_257, %sub3A_257 : vector<16xf32>
      %add3A_265 = arith.addf %add3A_248, %mul3A_264 : vector<16xf32>
      %get3A_266 = arith.index_cast %scan3A_164 : i32 to index
      %get3A_267 = arith.constant 96 : index
      %get3A_268 = tpu.vector_load %arg8[%get3A_266, %get3A_267] {strides = array<i32>} : memref<64x256xf32, #tpu.memory_space<vmem>>, vector<1x16xf32>,
      %get3A_269 = vector.shape_cast %get3A_268 : vector<1x16xf32> to vector<16xf32>
      %get3A_270 = arith.index_cast %scan3A_164 : i32 to index
      %get3A_271 = arith.constant 96 : index
      %get3A_272 = tpu.vector_load %arg10[%get3A_270, %get3A_271] {strides = array<i32>} : memref<64x256xf32, #tpu.memory_space<vmem>>, vector<1x16xf32>,
      %get3A_273 = vector.shape_cast %get3A_272 : vector<1x16xf32> to vector<16xf32>
      %sub3A_274 = arith.subf %get3A_269, %get3A_273 : vector<16xf32>
      %add3A_275 = arith.addf %get3A_273, %sub3A_274 : vector<16xf32>
      %swap3A_276 = arith.index_cast %scan3A_164 : i32 to index
      %swap3A_277 = arith.constant 96 : index
      %swap3A_278 = tpu.vector_load %arg8[%swap3A_276, %swap3A_277] {strides = array<i32>} : memref<64x256xf32, #tpu.memory_space<vmem>>, vector<1x16xf32>,
      %swap3A_279 = vector.shape_cast %swap3A_278 : vector<1x16xf32> to vector<16xf32>
      %swap3A_280 = vector.shape_cast %add3A_275 : vector<16xf32> to vector<1x16xf32>
      tpu.vector_store %arg8[%swap3A_276, %swap3A_277], %swap3A_280 {strides = array<i32>} : memref<64x256xf32, #tpu.memory_space<vmem>>, vector<1x16xf32>,
      %mul3A_281 = arith.mulf %sub3A_274, %sub3A_274 : vector<16xf32>
      %add3A_282 = arith.addf %add3A_265, %mul3A_281 : vector<16xf32>
      %get3A_283 = arith.index_cast %scan3A_164 : i32 to index
      %get3A_284 = arith.constant 112 : index
      %get3A_285 = tpu.vector_load %arg8[%get3A_283, %get3A_284] {strides = array<i32>} : memref<64x256xf32, #tpu.memory_space<vmem>>, vector<1x16xf32>,
      %get3A_286 = vector.shape_cast %get3A_285 : vector<1x16xf32> to vector<16xf32>
      %get3A_287 = arith.index_cast %scan3A_164 : i32 to index
      %get3A_288 = arith.constant 112 : index
      %get3A_289 = tpu.vector_load %arg10[%get3A_287, %get3A_288] {strides = array<i32>} : memref<64x256xf32, #tpu.memory_space<vmem>>, vector<1x16xf32>,
      %get3A_290 = vector.shape_cast %get3A_289 : vector<1x16xf32> to vector<16xf32>
      %sub3A_291 = arith.subf %get3A_286, %get3A_290 : vector<16xf32>
      %add3A_292 = arith.addf %get3A_290, %sub3A_291 : vector<16xf32>
      %swap3A_293 = arith.index_cast %scan3A_164 : i32 to index
      %swap3A_294 = arith.constant 112 : index
      %swap3A_295 = tpu.vector_load %arg8[%swap3A_293, %swap3A_294] {strides = array<i32>} : memref<64x256xf32, #tpu.memory_space<vmem>>, vector<1x16xf32>,
      %swap3A_296 = vector.shape_cast %swap3A_295 : vector<1x16xf32> to vector<16xf32>
      %swap3A_297 = vector.shape_cast %add3A_292 : vector<16xf32> to vector<1x16xf32>
      tpu.vector_store %arg8[%swap3A_293, %swap3A_294], %swap3A_297 {strides = array<i32>} : memref<64x256xf32, #tpu.memory_space<vmem>>, vector<1x16xf32>,
      %mul3A_298 = arith.mulf %sub3A_291, %sub3A_291 : vector<16xf32>
      %add3A_299 = arith.addf %add3A_282, %mul3A_298 : vector<16xf32>
      %get3A_300 = arith.index_cast %scan3A_164 : i32 to index
      %get3A_301 = arith.constant 128 : index
      %get3A_302 = tpu.vector_load %arg8[%get3A_300, %get3A_301] {strides = array<i32>} : memref<64x256xf32, #tpu.memory_space<vmem>>, vector<1x16xf32>,
      %get3A_303 = vector.shape_cast %get3A_302 : vector<1x16xf32> to vector<16xf32>
      %get3A_304 = arith.index_cast %scan3A_164 : i32 to index
      %get3A_305 = arith.constant 128 : index
      %get3A_306 = tpu.vector_load %arg10[%get3A_304, %get3A_305] {strides = array<i32>} : memref<64x256xf32, #tpu.memory_space<vmem>>, vector<1x16xf32>,
      %get3A_307 = vector.shape_cast %get3A_306 : vector<1x16xf32> to vector<16xf32>
      %sub3A_308 = arith.subf %get3A_303, %get3A_307 : vector<16xf32>
      %add3A_309 = arith.addf %get3A_307, %sub3A_308 : vector<16xf32>
      %swap3A_310 = arith.index_cast %scan3A_164 : i32 to index
      %swap3A_311 = arith.constant 128 : index
      %swap3A_312 = tpu.vector_load %arg8[%swap3A_310, %swap3A_311] {strides = array<i32>} : memref<64x256xf32, #tpu.memory_space<vmem>>, vector<1x16xf32>,
      %swap3A_313 = vector.shape_cast %swap3A_312 : vector<1x16xf32> to vector<16xf32>
      %swap3A_314 = vector.shape_cast %add3A_309 : vector<16xf32> to vector<1x16xf32>
      tpu.vector_store %arg8[%swap3A_310, %swap3A_311], %swap3A_314 {strides = array<i32>} : memref<64x256xf32, #tpu.memory_space<vmem>>, vector<1x16xf32>,
      %mul3A_315 = arith.mulf %sub3A_308, %sub3A_308 : vector<16xf32>
      %add3A_316 = arith.addf %add3A_299, %mul3A_315 : vector<16xf32>
      %get3A_317 = arith.index_cast %scan3A_164 : i32 to index
      %get3A_318 = arith.constant 144 : index
      %get3A_319 = tpu.vector_load %arg8[%get3A_317, %get3A_318] {strides = array<i32>} : memref<64x256xf32, #tpu.memory_space<vmem>>, vector<1x16xf32>,
      %get3A_320 = vector.shape_cast %get3A_319 : vector<1x16xf32> to vector<16xf32>
      %get3A_321 = arith.index_cast %scan3A_164 : i32 to index
      %get3A_322 = arith.constant 144 : index
      %get3A_323 = tpu.vector_load %arg10[%get3A_321, %get3A_322] {strides = array<i32>} : memref<64x256xf32, #tpu.memory_space<vmem>>, vector<1x16xf32>,
      %get3A_324 = vector.shape_cast %get3A_323 : vector<1x16xf32> to vector<16xf32>
      %sub3A_325 = arith.subf %get3A_320, %get3A_324 : vector<16xf32>
      %add3A_326 = arith.addf %get3A_324, %sub3A_325 : vector<16xf32>
      %swap3A_327 = arith.index_cast %scan3A_164 : i32 to index
      %swap3A_328 = arith.constant 144 : index
      %swap3A_329 = tpu.vector_load %arg8[%swap3A_327, %swap3A_328] {strides = array<i32>} : memref<64x256xf32, #tpu.memory_space<vmem>>, vector<1x16xf32>,
      %swap3A_330 = vector.shape_cast %swap3A_329 : vector<1x16xf32> to vector<16xf32>
      %swap3A_331 = vector.shape_cast %add3A_326 : vector<16xf32> to vector<1x16xf32>
      tpu.vector_store %arg8[%swap3A_327, %swap3A_328], %swap3A_331 {strides = array<i32>} : memref<64x256xf32, #tpu.memory_space<vmem>>, vector<1x16xf32>,
      %mul3A_332 = arith.mulf %sub3A_325, %sub3A_325 : vector<16xf32>
      %add3A_333 = arith.addf %add3A_316, %mul3A_332 : vector<16xf32>
      %get3A_334 = arith.index_cast %scan3A_164 : i32 to index
      %get3A_335 = arith.constant 160 : index
      %get3A_336 = tpu.vector_load %arg8[%get3A_334, %get3A_335] {strides = array<i32>} : memref<64x256xf32, #tpu.memory_space<vmem>>, vector<1x16xf32>,
      %get3A_337 = vector.shape_cast %get3A_336 : vector<1x16xf32> to vector<16xf32>
      %get3A_338 = arith.index_cast %scan3A_164 : i32 to index
      %get3A_339 = arith.constant 160 : index
      %get3A_340 = tpu.vector_load %arg10[%get3A_338, %get3A_339] {strides = array<i32>} : memref<64x256xf32, #tpu.memory_space<vmem>>, vector<1x16xf32>,
      %get3A_341 = vector.shape_cast %get3A_340 : vector<1x16xf32> to vector<16xf32>
      %sub3A_342 = arith.subf %get3A_337, %get3A_341 : vector<16xf32>
      %add3A_343 = arith.addf %get3A_341, %sub3A_342 : vector<16xf32>
      %swap3A_344 = arith.index_cast %scan3A_164 : i32 to index
      %swap3A_345 = arith.constant 160 : index
      %swap3A_346 = tpu.vector_load %arg8[%swap3A_344, %swap3A_345] {strides = array<i32>} : memref<64x256xf32, #tpu.memory_space<vmem>>, vector<1x16xf32>,
      %swap3A_347 = vector.shape_cast %swap3A_346 : vector<1x16xf32> to vector<16xf32>
      %swap3A_348 = vector.shape_cast %add3A_343 : vector<16xf32> to vector<1x16xf32>
      tpu.vector_store %arg8[%swap3A_344, %swap3A_345], %swap3A_348 {strides = array<i32>} : memref<64x256xf32, #tpu.memory_space<vmem>>, vector<1x16xf32>,
      %mul3A_349 = arith.mulf %sub3A_342, %sub3A_342 : vector<16xf32>
      %add3A_350 = arith.addf %add3A_333, %mul3A_349 : vector<16xf32>
      %get3A_351 = arith.index_cast %scan3A_164 : i32 to index
      %get3A_352 = arith.constant 176 : index
      %get3A_353 = tpu.vector_load %arg8[%get3A_351, %get3A_352] {strides = array<i32>} : memref<64x256xf32, #tpu.memory_space<vmem>>, vector<1x16xf32>,
      %get3A_354 = vector.shape_cast %get3A_353 : vector<1x16xf32> to vector<16xf32>
      %get3A_355 = arith.index_cast %scan3A_164 : i32 to index
      %get3A_356 = arith.constant 176 : index
      %get3A_357 = tpu.vector_load %arg10[%get3A_355, %get3A_356] {strides = array<i32>} : memref<64x256xf32, #tpu.memory_space<vmem>>, vector<1x16xf32>,
      %get3A_358 = vector.shape_cast %get3A_357 : vector<1x16xf32> to vector<16xf32>
      %sub3A_359 = arith.subf %get3A_354, %get3A_358 : vector<16xf32>
      %add3A_360 = arith.addf %get3A_358, %sub3A_359 : vector<16xf32>
      %swap3A_361 = arith.index_cast %scan3A_164 : i32 to index
      %swap3A_362 = arith.constant 176 : index
      %swap3A_363 = tpu.vector_load %arg8[%swap3A_361, %swap3A_362] {strides = array<i32>} : memref<64x256xf32, #tpu.memory_space<vmem>>, vector<1x16xf32>,
      %swap3A_364 = vector.shape_cast %swap3A_363 : vector<1x16xf32> to vector<16xf32>
      %swap3A_365 = vector.shape_cast %add3A_360 : vector<16xf32> to vector<1x16xf32>
      tpu.vector_store %arg8[%swap3A_361, %swap3A_362], %swap3A_365 {strides = array<i32>} : memref<64x256xf32, #tpu.memory_space<vmem>>, vector<1x16xf32>,
      %mul3A_366 = arith.mulf %sub3A_359, %sub3A_359 : vector<16xf32>
      %add3A_367 = arith.addf %add3A_350, %mul3A_366 : vector<16xf32>
      %get3A_368 = arith.index_cast %scan3A_164 : i32 to index
      %get3A_369 = arith.constant 192 : index
      %get3A_370 = tpu.vector_load %arg8[%get3A_368, %get3A_369] {strides = array<i32>} : memref<64x256xf32, #tpu.memory_space<vmem>>, vector<1x16xf32>,
      %get3A_371 = vector.shape_cast %get3A_370 : vector<1x16xf32> to vector<16xf32>
      %get3A_372 = arith.index_cast %scan3A_164 : i32 to index
      %get3A_373 = arith.constant 192 : index
      %get3A_374 = tpu.vector_load %arg10[%get3A_372, %get3A_373] {strides = array<i32>} : memref<64x256xf32, #tpu.memory_space<vmem>>, vector<1x16xf32>,
      %get3A_375 = vector.shape_cast %get3A_374 : vector<1x16xf32> to vector<16xf32>
      %sub3A_376 = arith.subf %get3A_371, %get3A_375 : vector<16xf32>
      %add3A_377 = arith.addf %get3A_375, %sub3A_376 : vector<16xf32>
      %swap3A_378 = arith.index_cast %scan3A_164 : i32 to index
      %swap3A_379 = arith.constant 192 : index
      %swap3A_380 = tpu.vector_load %arg8[%swap3A_378, %swap3A_379] {strides = array<i32>} : memref<64x256xf32, #tpu.memory_space<vmem>>, vector<1x16xf32>,
      %swap3A_381 = vector.shape_cast %swap3A_380 : vector<1x16xf32> to vector<16xf32>
      %swap3A_382 = vector.shape_cast %add3A_377 : vector<16xf32> to vector<1x16xf32>
      tpu.vector_store %arg8[%swap3A_378, %swap3A_379], %swap3A_382 {strides = array<i32>} : memref<64x256xf32, #tpu.memory_space<vmem>>, vector<1x16xf32>,
      %mul3A_383 = arith.mulf %sub3A_376, %sub3A_376 : vector<16xf32>
      %add3A_384 = arith.addf %add3A_367, %mul3A_383 : vector<16xf32>
      %get3A_385 = arith.index_cast %scan3A_164 : i32 to index
      %get3A_386 = arith.constant 208 : index
      %get3A_387 = tpu.vector_load %arg8[%get3A_385, %get3A_386] {strides = array<i32>} : memref<64x256xf32, #tpu.memory_space<vmem>>, vector<1x16xf32>,
      %get3A_388 = vector.shape_cast %get3A_387 : vector<1x16xf32> to vector<16xf32>
      %get3A_389 = arith.index_cast %scan3A_164 : i32 to index
      %get3A_390 = arith.constant 208 : index
      %get3A_391 = tpu.vector_load %arg10[%get3A_389, %get3A_390] {strides = array<i32>} : memref<64x256xf32, #tpu.memory_space<vmem>>, vector<1x16xf32>,
      %get3A_392 = vector.shape_cast %get3A_391 : vector<1x16xf32> to vector<16xf32>
      %sub3A_393 = arith.subf %get3A_388, %get3A_392 : vector<16xf32>
      %add3A_394 = arith.addf %get3A_392, %sub3A_393 : vector<16xf32>
      %swap3A_395 = arith.index_cast %scan3A_164 : i32 to index
      %swap3A_396 = arith.constant 208 : index
      %swap3A_397 = tpu.vector_load %arg8[%swap3A_395, %swap3A_396] {strides = array<i32>} : memref<64x256xf32, #tpu.memory_space<vmem>>, vector<1x16xf32>,
      %swap3A_398 = vector.shape_cast %swap3A_397 : vector<1x16xf32> to vector<16xf32>
      %swap3A_399 = vector.shape_cast %add3A_394 : vector<16xf32> to vector<1x16xf32>
      tpu.vector_store %arg8[%swap3A_395, %swap3A_396], %swap3A_399 {strides = array<i32>} : memref<64x256xf32, #tpu.memory_space<vmem>>, vector<1x16xf32>,
      %mul3A_400 = arith.mulf %sub3A_393, %sub3A_393 : vector<16xf32>
      %add3A_401 = arith.addf %add3A_384, %mul3A_400 : vector<16xf32>
      %get3A_402 = arith.index_cast %scan3A_164 : i32 to index
      %get3A_403 = arith.constant 224 : index
      %get3A_404 = tpu.vector_load %arg8[%get3A_402, %get3A_403] {strides = array<i32>} : memref<64x256xf32, #tpu.memory_space<vmem>>, vector<1x16xf32>,
      %get3A_405 = vector.shape_cast %get3A_404 : vector<1x16xf32> to vector<16xf32>
      %get3A_406 = arith.index_cast %scan3A_164 : i32 to index
      %get3A_407 = arith.constant 224 : index
      %get3A_408 = tpu.vector_load %arg10[%get3A_406, %get3A_407] {strides = array<i32>} : memref<64x256xf32, #tpu.memory_space<vmem>>, vector<1x16xf32>,
      %get3A_409 = vector.shape_cast %get3A_408 : vector<1x16xf32> to vector<16xf32>
      %sub3A_410 = arith.subf %get3A_405, %get3A_409 : vector<16xf32>
      %add3A_411 = arith.addf %get3A_409, %sub3A_410 : vector<16xf32>
      %swap3A_412 = arith.index_cast %scan3A_164 : i32 to index
      %swap3A_413 = arith.constant 224 : index
      %swap3A_414 = tpu.vector_load %arg8[%swap3A_412, %swap3A_413] {strides = array<i32>} : memref<64x256xf32, #tpu.memory_space<vmem>>, vector<1x16xf32>,
      %swap3A_415 = vector.shape_cast %swap3A_414 : vector<1x16xf32> to vector<16xf32>
      %swap3A_416 = vector.shape_cast %add3A_411 : vector<16xf32> to vector<1x16xf32>
      tpu.vector_store %arg8[%swap3A_412, %swap3A_413], %swap3A_416 {strides = array<i32>} : memref<64x256xf32, #tpu.memory_space<vmem>>, vector<1x16xf32>,
      %mul3A_417 = arith.mulf %sub3A_410, %sub3A_410 : vector<16xf32>
      %add3A_418 = arith.addf %add3A_401, %mul3A_417 : vector<16xf32>
      %get3A_419 = arith.index_cast %scan3A_164 : i32 to index
      %get3A_420 = arith.constant 240 : index
      %get3A_421 = tpu.vector_load %arg8[%get3A_419, %get3A_420] {strides = array<i32>} : memref<64x256xf32, #tpu.memory_space<vmem>>, vector<1x16xf32>,
      %get3A_422 = vector.shape_cast %get3A_421 : vector<1x16xf32> to vector<16xf32>
      %get3A_423 = arith.index_cast %scan3A_164 : i32 to index
      %get3A_424 = arith.constant 240 : index
      %get3A_425 = tpu.vector_load %arg10[%get3A_423, %get3A_424] {strides = array<i32>} : memref<64x256xf32, #tpu.memory_space<vmem>>, vector<1x16xf32>,
      %get3A_426 = vector.shape_cast %get3A_425 : vector<1x16xf32> to vector<16xf32>
      %sub3A_427 = arith.subf %get3A_422, %get3A_426 : vector<16xf32>
      %add3A_428 = arith.addf %get3A_426, %sub3A_427 : vector<16xf32>
      %swap3A_429 = arith.index_cast %scan3A_164 : i32 to index
      %swap3A_430 = arith.constant 240 : index
      %swap3A_431 = tpu.vector_load %arg8[%swap3A_429, %swap3A_430] {strides = array<i32>} : memref<64x256xf32, #tpu.memory_space<vmem>>, vector<1x16xf32>,
      %swap3A_432 = vector.shape_cast %swap3A_431 : vector<1x16xf32> to vector<16xf32>
      %swap3A_433 = vector.shape_cast %add3A_428 : vector<16xf32> to vector<1x16xf32>
      tpu.vector_store %arg8[%swap3A_429, %swap3A_430], %swap3A_433 {strides = array<i32>} : memref<64x256xf32, #tpu.memory_space<vmem>>, vector<1x16xf32>,
      %mul3A_434 = arith.mulf %sub3A_427, %sub3A_427 : vector<16xf32>
      %add3A_435 = arith.addf %add3A_418, %mul3A_434 : vector<16xf32>
      scf.yield %add3A_435 : vector<16xf32>
    }
    %scan3A_39 = arith.constant 64 : i32
    %add3A_40 = arith.constant 0 : i32
    %add3A_41 = arith.addi %mul3A_2, %add3A_40 : i32
    %dma_start3A_42 = arith.constant 0 : i32
    %dma_start3A_43 = tpu.memref_slice %arg5[%add3A_41, %dma_start3A_42] : memref<8192x256xf32, #tpu.memory_space<hbm>> -> memref<64x256xf32, #tpu.memory_space<hbm>>
    %dma_start3A_44 = arith.constant 0 : i32
    %dma_start3A_45 = tpu.memref_slice %arg5[%add3A_41, %dma_start3A_44] : memref<8192x256xf32, #tpu.memory_space<hbm>> -> memref<64x256xf32, #tpu.memory_space<hbm>>
    tpu.enqueue_dma source(%arg8 : memref<64x256xf32, #tpu.memory_space<vmem>>) target(%dma_start3A_45 : memref<64x256xf32, #tpu.memory_space<hbm>>) target_semaphore(%arg17 : memref<!tpu.dma_semaphore, #tpu.memory_space<semaphore_mem>>)
    %add3A_46 = arith.constant 0 : i32
    %add3A_47 = arith.addi %mul3A_2, %add3A_46 : i32
    %dma_wait3A_48 = arith.constant 0 : i32
    %dma_wait3A_49 = tpu.memref_slice %arg5[%add3A_47, %dma_wait3A_48] : memref<8192x256xf32, #tpu.memory_space<hbm>> -> memref<64x256xf32, #tpu.memory_space<hbm>>
    %dma_wait3A_50 = arith.constant 0 : i32
    %dma_wait3A_51 = tpu.memref_slice %arg5[%add3A_47, %dma_wait3A_50] : memref<8192x256xf32, #tpu.memory_space<hbm>> -> memref<64x256xf32, #tpu.memory_space<hbm>>
    tpu.wait_dma2 semaphore(%arg17 : memref<!tpu.dma_semaphore, #tpu.memory_space<semaphore_mem>>) src(%arg8 : memref<64x256xf32, #tpu.memory_space<vmem>>) dst(%dma_wait3A_51 : memref<64x256xf32, #tpu.memory_space<hbm>>)
    %add3A_52 = arith.constant 128 : i32
    %add3A_53 = arith.addi %mul3A_2, %add3A_52 : i32
    %dma_start3A_54 = arith.constant 128 : i32
    %dma_start3A_55 = tpu.memref_slice %arg7[%dma_start3A_54] : memref<256xi32, #tpu.memory_space<vmem>> -> memref<64xi32, #tpu.memory_space<vmem>>
    %dma_start3A_56 = arith.constant 0 : i32
    %dma_start3A_57 = arith.constant 0 : i32
    %dma_start3A_58 = tpu.memref_slice %arg2[%dma_start3A_56, %dma_start3A_57] : memref<8192x256xf32, #tpu.memory_space<hbm>> -> memref<8192x256xf32, #tpu.memory_space<hbm>>
    tpu.enqueue_indirect_dma source(%dma_start3A_58 : memref<8192x256xf32, #tpu.memory_space<hbm>>) target(%arg8 : memref<64x256xf32, #tpu.memory_space<vmem>>) offsets(%dma_start3A_55 : memref<64xi32, #tpu.memory_space<vmem>>) semaphore(%arg13 : memref<!tpu.dma_semaphore, #tpu.memory_space<semaphore_mem>>)
    %dma_start3A_59 = arith.constant 0 : i32
    %dma_start3A_60 = tpu.memref_slice %arg4[%add3A_53, %dma_start3A_59] : memref<8192x256xf32, #tpu.memory_space<hbm>> -> memref<64x256xf32, #tpu.memory_space<hbm>>
    %dma_start3A_61 = arith.constant 0 : i32
    %dma_start3A_62 = tpu.memref_slice %arg4[%add3A_53, %dma_start3A_61] : memref<8192x256xf32, #tpu.memory_space<hbm>> -> memref<64x256xf32, #tpu.memory_space<hbm>>
    tpu.enqueue_dma source(%dma_start3A_62 : memref<64x256xf32, #tpu.memory_space<hbm>>) target(%arg10 : memref<64x256xf32, #tpu.memory_space<vmem>>) target_semaphore(%arg15 : memref<!tpu.dma_semaphore, #tpu.memory_space<semaphore_mem>>)
    %dma_wait3A_63 = arith.constant 64 : i32
    %dma_wait3A_64 = tpu.memref_slice %arg7[%dma_wait3A_63] : memref<256xi32, #tpu.memory_space<vmem>> -> memref<64xi32, #tpu.memory_space<vmem>>
    %dma_wait3A_65 = arith.constant 0 : i32
    %dma_wait3A_66 = arith.constant 0 : i32
    %dma_wait3A_67 = tpu.memref_slice %arg2[%dma_wait3A_65, %dma_wait3A_66] : memref<8192x256xf32, #tpu.memory_space<hbm>> -> memref<8192x256xf32, #tpu.memory_space<hbm>>
    tpu.wait_indirect_dma semaphore(%arg14 : memref<!tpu.dma_semaphore, #tpu.memory_space<semaphore_mem>>) src(%dma_wait3A_67 : memref<8192x256xf32, #tpu.memory_space<hbm>>) dst(%arg9 : memref<64x256xf32, #tpu.memory_space<vmem>>)
    %add3A_68 = arith.constant 64 : i32
    %add3A_69 = arith.addi %mul3A_2, %add3A_68 : i32
    %dma_wait3A_70 = arith.constant 0 : i32
    %dma_wait3A_71 = tpu.memref_slice %arg4[%add3A_69, %dma_wait3A_70] : memref<8192x256xf32, #tpu.memory_space<hbm>> -> memref<64x256xf32, #tpu.memory_space<hbm>>
    %dma_wait3A_72 = arith.constant 0 : i32
    %dma_wait3A_73 = tpu.memref_slice %arg4[%add3A_69, %dma_wait3A_72] : memref<8192x256xf32, #tpu.memory_space<hbm>> -> memref<64x256xf32, #tpu.memory_space<hbm>>
    tpu.wait_dma2 semaphore(%arg16 : memref<!tpu.dma_semaphore, #tpu.memory_space<semaphore_mem>>) src(%dma_wait3A_73 : memref<64x256xf32, #tpu.memory_space<hbm>>) dst(%arg11 : memref<64x256xf32, #tpu.memory_space<vmem>>)
    %scan3A_74 = arith.constant 0 : i32
    %scan3A_75 = arith.constant 64 : i32
    %scan3A_76 = arith.addi %scan3A_74, %scan3A_75 : i32
    %scan3A_77 = arith.constant 1 : i32
    %scan3A_78 = scf.for %scan3A_164 = %scan3A_74 to %scan3A_76 step %scan3A_77 iter_args(%scan3A_165 = %scan3A_38) -> (vector<16xf32>)  : i32 {
      %get3A = arith.index_cast %scan3A_164 : i32 to index
      %get3A_166 = arith.constant 0 : index
      %get3A_167 = tpu.vector_load %arg9[%get3A, %get3A_166] {strides = array<i32>} : memref<64x256xf32, #tpu.memory_space<vmem>>, vector<1x16xf32>,
      %get3A_168 = vector.shape_cast %get3A_167 : vector<1x16xf32> to vector<16xf32>
      %get3A_169 = arith.index_cast %scan3A_164 : i32 to index
      %get3A_170 = arith.constant 0 : index
      %get3A_171 = tpu.vector_load %arg11[%get3A_169, %get3A_170] {strides = array<i32>} : memref<64x256xf32, #tpu.memory_space<vmem>>, vector<1x16xf32>,
      %get3A_172 = vector.shape_cast %get3A_171 : vector<1x16xf32> to vector<16xf32>
      %sub3A = arith.subf %get3A_168, %get3A_172 : vector<16xf32>
      %add3A_173 = arith.addf %get3A_172, %sub3A : vector<16xf32>
      %swap3A_174 = arith.index_cast %scan3A_164 : i32 to index
      %swap3A_175 = arith.constant 0 : index
      %swap3A_176 = tpu.vector_load %arg9[%swap3A_174, %swap3A_175] {strides = array<i32>} : memref<64x256xf32, #tpu.memory_space<vmem>>, vector<1x16xf32>,
      %swap3A_177 = vector.shape_cast %swap3A_176 : vector<1x16xf32> to vector<16xf32>
      %swap3A_178 = vector.shape_cast %add3A_173 : vector<16xf32> to vector<1x16xf32>
      tpu.vector_store %arg9[%swap3A_174, %swap3A_175], %swap3A_178 {strides = array<i32>} : memref<64x256xf32, #tpu.memory_space<vmem>>, vector<1x16xf32>,
      %mul3A_179 = arith.mulf %sub3A, %sub3A : vector<16xf32>
      %add3A_180 = arith.addf %scan3A_165, %mul3A_179 : vector<16xf32>
      %get3A_181 = arith.index_cast %scan3A_164 : i32 to index
      %get3A_182 = arith.constant 16 : index
      %get3A_183 = tpu.vector_load %arg9[%get3A_181, %get3A_182] {strides = array<i32>} : memref<64x256xf32, #tpu.memory_space<vmem>>, vector<1x16xf32>,
      %get3A_184 = vector.shape_cast %get3A_183 : vector<1x16xf32> to vector<16xf32>
      %get3A_185 = arith.index_cast %scan3A_164 : i32 to index
      %get3A_186 = arith.constant 16 : index
      %get3A_187 = tpu.vector_load %arg11[%get3A_185, %get3A_186] {strides = array<i32>} : memref<64x256xf32, #tpu.memory_space<vmem>>, vector<1x16xf32>,
      %get3A_188 = vector.shape_cast %get3A_187 : vector<1x16xf32> to vector<16xf32>
      %sub3A_189 = arith.subf %get3A_184, %get3A_188 : vector<16xf32>
      %add3A_190 = arith.addf %get3A_188, %sub3A_189 : vector<16xf32>
      %swap3A_191 = arith.index_cast %scan3A_164 : i32 to index
      %swap3A_192 = arith.constant 16 : index
      %swap3A_193 = tpu.vector_load %arg9[%swap3A_191, %swap3A_192] {strides = array<i32>} : memref<64x256xf32, #tpu.memory_space<vmem>>, vector<1x16xf32>,
      %swap3A_194 = vector.shape_cast %swap3A_193 : vector<1x16xf32> to vector<16xf32>
      %swap3A_195 = vector.shape_cast %add3A_190 : vector<16xf32> to vector<1x16xf32>
      tpu.vector_store %arg9[%swap3A_191, %swap3A_192], %swap3A_195 {strides = array<i32>} : memref<64x256xf32, #tpu.memory_space<vmem>>, vector<1x16xf32>,
      %mul3A_196 = arith.mulf %sub3A_189, %sub3A_189 : vector<16xf32>
      %add3A_197 = arith.addf %add3A_180, %mul3A_196 : vector<16xf32>
      %get3A_198 = arith.index_cast %scan3A_164 : i32 to index
      %get3A_199 = arith.constant 32 : index
      %get3A_200 = tpu.vector_load %arg9[%get3A_198, %get3A_199] {strides = array<i32>} : memref<64x256xf32, #tpu.memory_space<vmem>>, vector<1x16xf32>,
      %get3A_201 = vector.shape_cast %get3A_200 : vector<1x16xf32> to vector<16xf32>
      %get3A_202 = arith.index_cast %scan3A_164 : i32 to index
      %get3A_203 = arith.constant 32 : index
      %get3A_204 = tpu.vector_load %arg11[%get3A_202, %get3A_203] {strides = array<i32>} : memref<64x256xf32, #tpu.memory_space<vmem>>, vector<1x16xf32>,
      %get3A_205 = vector.shape_cast %get3A_204 : vector<1x16xf32> to vector<16xf32>
      %sub3A_206 = arith.subf %get3A_201, %get3A_205 : vector<16xf32>
      %add3A_207 = arith.addf %get3A_205, %sub3A_206 : vector<16xf32>
      %swap3A_208 = arith.index_cast %scan3A_164 : i32 to index
      %swap3A_209 = arith.constant 32 : index
      %swap3A_210 = tpu.vector_load %arg9[%swap3A_208, %swap3A_209] {strides = array<i32>} : memref<64x256xf32, #tpu.memory_space<vmem>>, vector<1x16xf32>,
      %swap3A_211 = vector.shape_cast %swap3A_210 : vector<1x16xf32> to vector<16xf32>
      %swap3A_212 = vector.shape_cast %add3A_207 : vector<16xf32> to vector<1x16xf32>
      tpu.vector_store %arg9[%swap3A_208, %swap3A_209], %swap3A_212 {strides = array<i32>} : memref<64x256xf32, #tpu.memory_space<vmem>>, vector<1x16xf32>,
      %mul3A_213 = arith.mulf %sub3A_206, %sub3A_206 : vector<16xf32>
      %add3A_214 = arith.addf %add3A_197, %mul3A_213 : vector<16xf32>
      %get3A_215 = arith.index_cast %scan3A_164 : i32 to index
      %get3A_216 = arith.constant 48 : index
      %get3A_217 = tpu.vector_load %arg9[%get3A_215, %get3A_216] {strides = array<i32>} : memref<64x256xf32, #tpu.memory_space<vmem>>, vector<1x16xf32>,
      %get3A_218 = vector.shape_cast %get3A_217 : vector<1x16xf32> to vector<16xf32>
      %get3A_219 = arith.index_cast %scan3A_164 : i32 to index
      %get3A_220 = arith.constant 48 : index
      %get3A_221 = tpu.vector_load %arg11[%get3A_219, %get3A_220] {strides = array<i32>} : memref<64x256xf32, #tpu.memory_space<vmem>>, vector<1x16xf32>,
      %get3A_222 = vector.shape_cast %get3A_221 : vector<1x16xf32> to vector<16xf32>
      %sub3A_223 = arith.subf %get3A_218, %get3A_222 : vector<16xf32>
      %add3A_224 = arith.addf %get3A_222, %sub3A_223 : vector<16xf32>
      %swap3A_225 = arith.index_cast %scan3A_164 : i32 to index
      %swap3A_226 = arith.constant 48 : index
      %swap3A_227 = tpu.vector_load %arg9[%swap3A_225, %swap3A_226] {strides = array<i32>} : memref<64x256xf32, #tpu.memory_space<vmem>>, vector<1x16xf32>,
      %swap3A_228 = vector.shape_cast %swap3A_227 : vector<1x16xf32> to vector<16xf32>
      %swap3A_229 = vector.shape_cast %add3A_224 : vector<16xf32> to vector<1x16xf32>
      tpu.vector_store %arg9[%swap3A_225, %swap3A_226], %swap3A_229 {strides = array<i32>} : memref<64x256xf32, #tpu.memory_space<vmem>>, vector<1x16xf32>,
      %mul3A_230 = arith.mulf %sub3A_223, %sub3A_223 : vector<16xf32>
      %add3A_231 = arith.addf %add3A_214, %mul3A_230 : vector<16xf32>
      %get3A_232 = arith.index_cast %scan3A_164 : i32 to index
      %get3A_233 = arith.constant 64 : index
      %get3A_234 = tpu.vector_load %arg9[%get3A_232, %get3A_233] {strides = array<i32>} : memref<64x256xf32, #tpu.memory_space<vmem>>, vector<1x16xf32>,
      %get3A_235 = vector.shape_cast %get3A_234 : vector<1x16xf32> to vector<16xf32>
      %get3A_236 = arith.index_cast %scan3A_164 : i32 to index
      %get3A_237 = arith.constant 64 : index
      %get3A_238 = tpu.vector_load %arg11[%get3A_236, %get3A_237] {strides = array<i32>} : memref<64x256xf32, #tpu.memory_space<vmem>>, vector<1x16xf32>,
      %get3A_239 = vector.shape_cast %get3A_238 : vector<1x16xf32> to vector<16xf32>
      %sub3A_240 = arith.subf %get3A_235, %get3A_239 : vector<16xf32>
      %add3A_241 = arith.addf %get3A_239, %sub3A_240 : vector<16xf32>
      %swap3A_242 = arith.index_cast %scan3A_164 : i32 to index
      %swap3A_243 = arith.constant 64 : index
      %swap3A_244 = tpu.vector_load %arg9[%swap3A_242, %swap3A_243] {strides = array<i32>} : memref<64x256xf32, #tpu.memory_space<vmem>>, vector<1x16xf32>,
      %swap3A_245 = vector.shape_cast %swap3A_244 : vector<1x16xf32> to vector<16xf32>
      %swap3A_246 = vector.shape_cast %add3A_241 : vector<16xf32> to vector<1x16xf32>
      tpu.vector_store %arg9[%swap3A_242, %swap3A_243], %swap3A_246 {strides = array<i32>} : memref<64x256xf32, #tpu.memory_space<vmem>>, vector<1x16xf32>,
      %mul3A_247 = arith.mulf %sub3A_240, %sub3A_240 : vector<16xf32>
      %add3A_248 = arith.addf %add3A_231, %mul3A_247 : vector<16xf32>
      %get3A_249 = arith.index_cast %scan3A_164 : i32 to index
      %get3A_250 = arith.constant 80 : index
      %get3A_251 = tpu.vector_load %arg9[%get3A_249, %get3A_250] {strides = array<i32>} : memref<64x256xf32, #tpu.memory_space<vmem>>, vector<1x16xf32>,
      %get3A_252 = vector.shape_cast %get3A_251 : vector<1x16xf32> to vector<16xf32>
      %get3A_253 = arith.index_cast %scan3A_164 : i32 to index
      %get3A_254 = arith.constant 80 : index
      %get3A_255 = tpu.vector_load %arg11[%get3A_253, %get3A_254] {strides = array<i32>} : memref<64x256xf32, #tpu.memory_space<vmem>>, vector<1x16xf32>,
      %get3A_256 = vector.shape_cast %get3A_255 : vector<1x16xf32> to vector<16xf32>
      %sub3A_257 = arith.subf %get3A_252, %get3A_256 : vector<16xf32>
      %add3A_258 = arith.addf %get3A_256, %sub3A_257 : vector<16xf32>
      %swap3A_259 = arith.index_cast %scan3A_164 : i32 to index
      %swap3A_260 = arith.constant 80 : index
      %swap3A_261 = tpu.vector_load %arg9[%swap3A_259, %swap3A_260] {strides = array<i32>} : memref<64x256xf32, #tpu.memory_space<vmem>>, vector<1x16xf32>,
      %swap3A_262 = vector.shape_cast %swap3A_261 : vector<1x16xf32> to vector<16xf32>
      %swap3A_263 = vector.shape_cast %add3A_258 : vector<16xf32> to vector<1x16xf32>
      tpu.vector_store %arg9[%swap3A_259, %swap3A_260], %swap3A_263 {strides = array<i32>} : memref<64x256xf32, #tpu.memory_space<vmem>>, vector<1x16xf32>,
      %mul3A_264 = arith.mulf %sub3A_257, %sub3A_257 : vector<16xf32>
      %add3A_265 = arith.addf %add3A_248, %mul3A_264 : vector<16xf32>
      %get3A_266 = arith.index_cast %scan3A_164 : i32 to index
      %get3A_267 = arith.constant 96 : index
      %get3A_268 = tpu.vector_load %arg9[%get3A_266, %get3A_267] {strides = array<i32>} : memref<64x256xf32, #tpu.memory_space<vmem>>, vector<1x16xf32>,
      %get3A_269 = vector.shape_cast %get3A_268 : vector<1x16xf32> to vector<16xf32>
      %get3A_270 = arith.index_cast %scan3A_164 : i32 to index
      %get3A_271 = arith.constant 96 : index
      %get3A_272 = tpu.vector_load %arg11[%get3A_270, %get3A_271] {strides = array<i32>} : memref<64x256xf32, #tpu.memory_space<vmem>>, vector<1x16xf32>,
      %get3A_273 = vector.shape_cast %get3A_272 : vector<1x16xf32> to vector<16xf32>
      %sub3A_274 = arith.subf %get3A_269, %get3A_273 : vector<16xf32>
      %add3A_275 = arith.addf %get3A_273, %sub3A_274 : vector<16xf32>
      %swap3A_276 = arith.index_cast %scan3A_164 : i32 to index
      %swap3A_277 = arith.constant 96 : index
      %swap3A_278 = tpu.vector_load %arg9[%swap3A_276, %swap3A_277] {strides = array<i32>} : memref<64x256xf32, #tpu.memory_space<vmem>>, vector<1x16xf32>,
      %swap3A_279 = vector.shape_cast %swap3A_278 : vector<1x16xf32> to vector<16xf32>
      %swap3A_280 = vector.shape_cast %add3A_275 : vector<16xf32> to vector<1x16xf32>
      tpu.vector_store %arg9[%swap3A_276, %swap3A_277], %swap3A_280 {strides = array<i32>} : memref<64x256xf32, #tpu.memory_space<vmem>>, vector<1x16xf32>,
      %mul3A_281 = arith.mulf %sub3A_274, %sub3A_274 : vector<16xf32>
      %add3A_282 = arith.addf %add3A_265, %mul3A_281 : vector<16xf32>
      %get3A_283 = arith.index_cast %scan3A_164 : i32 to index
      %get3A_284 = arith.constant 112 : index
      %get3A_285 = tpu.vector_load %arg9[%get3A_283, %get3A_284] {strides = array<i32>} : memref<64x256xf32, #tpu.memory_space<vmem>>, vector<1x16xf32>,
      %get3A_286 = vector.shape_cast %get3A_285 : vector<1x16xf32> to vector<16xf32>
      %get3A_287 = arith.index_cast %scan3A_164 : i32 to index
      %get3A_288 = arith.constant 112 : index
      %get3A_289 = tpu.vector_load %arg11[%get3A_287, %get3A_288] {strides = array<i32>} : memref<64x256xf32, #tpu.memory_space<vmem>>, vector<1x16xf32>,
      %get3A_290 = vector.shape_cast %get3A_289 : vector<1x16xf32> to vector<16xf32>
      %sub3A_291 = arith.subf %get3A_286, %get3A_290 : vector<16xf32>
      %add3A_292 = arith.addf %get3A_290, %sub3A_291 : vector<16xf32>
      %swap3A_293 = arith.index_cast %scan3A_164 : i32 to index
      %swap3A_294 = arith.constant 112 : index
      %swap3A_295 = tpu.vector_load %arg9[%swap3A_293, %swap3A_294] {strides = array<i32>} : memref<64x256xf32, #tpu.memory_space<vmem>>, vector<1x16xf32>,
      %swap3A_296 = vector.shape_cast %swap3A_295 : vector<1x16xf32> to vector<16xf32>
      %swap3A_297 = vector.shape_cast %add3A_292 : vector<16xf32> to vector<1x16xf32>
      tpu.vector_store %arg9[%swap3A_293, %swap3A_294], %swap3A_297 {strides = array<i32>} : memref<64x256xf32, #tpu.memory_space<vmem>>, vector<1x16xf32>,
      %mul3A_298 = arith.mulf %sub3A_291, %sub3A_291 : vector<16xf32>
      %add3A_299 = arith.addf %add3A_282, %mul3A_298 : vector<16xf32>
      %get3A_300 = arith.index_cast %scan3A_164 : i32 to index
      %get3A_301 = arith.constant 128 : index
      %get3A_302 = tpu.vector_load %arg9[%get3A_300, %get3A_301] {strides = array<i32>} : memref<64x256xf32, #tpu.memory_space<vmem>>, vector<1x16xf32>,
      %get3A_303 = vector.shape_cast %get3A_302 : vector<1x16xf32> to vector<16xf32>
      %get3A_304 = arith.index_cast %scan3A_164 : i32 to index
      %get3A_305 = arith.constant 128 : index
      %get3A_306 = tpu.vector_load %arg11[%get3A_304, %get3A_305] {strides = array<i32>} : memref<64x256xf32, #tpu.memory_space<vmem>>, vector<1x16xf32>,
      %get3A_307 = vector.shape_cast %get3A_306 : vector<1x16xf32> to vector<16xf32>
      %sub3A_308 = arith.subf %get3A_303, %get3A_307 : vector<16xf32>
      %add3A_309 = arith.addf %get3A_307, %sub3A_308 : vector<16xf32>
      %swap3A_310 = arith.index_cast %scan3A_164 : i32 to index
      %swap3A_311 = arith.constant 128 : index
      %swap3A_312 = tpu.vector_load %arg9[%swap3A_310, %swap3A_311] {strides = array<i32>} : memref<64x256xf32, #tpu.memory_space<vmem>>, vector<1x16xf32>,
      %swap3A_313 = vector.shape_cast %swap3A_312 : vector<1x16xf32> to vector<16xf32>
      %swap3A_314 = vector.shape_cast %add3A_309 : vector<16xf32> to vector<1x16xf32>
      tpu.vector_store %arg9[%swap3A_310, %swap3A_311], %swap3A_314 {strides = array<i32>} : memref<64x256xf32, #tpu.memory_space<vmem>>, vector<1x16xf32>,
      %mul3A_315 = arith.mulf %sub3A_308, %sub3A_308 : vector<16xf32>
      %add3A_316 = arith.addf %add3A_299, %mul3A_315 : vector<16xf32>
      %get3A_317 = arith.index_cast %scan3A_164 : i32 to index
      %get3A_318 = arith.constant 144 : index
      %get3A_319 = tpu.vector_load %arg9[%get3A_317, %get3A_318] {strides = array<i32>} : memref<64x256xf32, #tpu.memory_space<vmem>>, vector<1x16xf32>,
      %get3A_320 = vector.shape_cast %get3A_319 : vector<1x16xf32> to vector<16xf32>
      %get3A_321 = arith.index_cast %scan3A_164 : i32 to index
      %get3A_322 = arith.constant 144 : index
      %get3A_323 = tpu.vector_load %arg11[%get3A_321, %get3A_322] {strides = array<i32>} : memref<64x256xf32, #tpu.memory_space<vmem>>, vector<1x16xf32>,
      %get3A_324 = vector.shape_cast %get3A_323 : vector<1x16xf32> to vector<16xf32>
      %sub3A_325 = arith.subf %get3A_320, %get3A_324 : vector<16xf32>
      %add3A_326 = arith.addf %get3A_324, %sub3A_325 : vector<16xf32>
      %swap3A_327 = arith.index_cast %scan3A_164 : i32 to index
      %swap3A_328 = arith.constant 144 : index
      %swap3A_329 = tpu.vector_load %arg9[%swap3A_327, %swap3A_328] {strides = array<i32>} : memref<64x256xf32, #tpu.memory_space<vmem>>, vector<1x16xf32>,
      %swap3A_330 = vector.shape_cast %swap3A_329 : vector<1x16xf32> to vector<16xf32>
      %swap3A_331 = vector.shape_cast %add3A_326 : vector<16xf32> to vector<1x16xf32>
      tpu.vector_store %arg9[%swap3A_327, %swap3A_328], %swap3A_331 {strides = array<i32>} : memref<64x256xf32, #tpu.memory_space<vmem>>, vector<1x16xf32>,
      %mul3A_332 = arith.mulf %sub3A_325, %sub3A_325 : vector<16xf32>
      %add3A_333 = arith.addf %add3A_316, %mul3A_332 : vector<16xf32>
      %get3A_334 = arith.index_cast %scan3A_164 : i32 to index
      %get3A_335 = arith.constant 160 : index
      %get3A_336 = tpu.vector_load %arg9[%get3A_334, %get3A_335] {strides = array<i32>} : memref<64x256xf32, #tpu.memory_space<vmem>>, vector<1x16xf32>,
      %get3A_337 = vector.shape_cast %get3A_336 : vector<1x16xf32> to vector<16xf32>
      %get3A_338 = arith.index_cast %scan3A_164 : i32 to index
      %get3A_339 = arith.constant 160 : index
      %get3A_340 = tpu.vector_load %arg11[%get3A_338, %get3A_339] {strides = array<i32>} : memref<64x256xf32, #tpu.memory_space<vmem>>, vector<1x16xf32>,
      %get3A_341 = vector.shape_cast %get3A_340 : vector<1x16xf32> to vector<16xf32>
      %sub3A_342 = arith.subf %get3A_337, %get3A_341 : vector<16xf32>
      %add3A_343 = arith.addf %get3A_341, %sub3A_342 : vector<16xf32>
      %swap3A_344 = arith.index_cast %scan3A_164 : i32 to index
      %swap3A_345 = arith.constant 160 : index
      %swap3A_346 = tpu.vector_load %arg9[%swap3A_344, %swap3A_345] {strides = array<i32>} : memref<64x256xf32, #tpu.memory_space<vmem>>, vector<1x16xf32>,
      %swap3A_347 = vector.shape_cast %swap3A_346 : vector<1x16xf32> to vector<16xf32>
      %swap3A_348 = vector.shape_cast %add3A_343 : vector<16xf32> to vector<1x16xf32>
      tpu.vector_store %arg9[%swap3A_344, %swap3A_345], %swap3A_348 {strides = array<i32>} : memref<64x256xf32, #tpu.memory_space<vmem>>, vector<1x16xf32>,
      %mul3A_349 = arith.mulf %sub3A_342, %sub3A_342 : vector<16xf32>
      %add3A_350 = arith.addf %add3A_333, %mul3A_349 : vector<16xf32>
      %get3A_351 = arith.index_cast %scan3A_164 : i32 to index
      %get3A_352 = arith.constant 176 : index
      %get3A_353 = tpu.vector_load %arg9[%get3A_351, %get3A_352] {strides = array<i32>} : memref<64x256xf32, #tpu.memory_space<vmem>>, vector<1x16xf32>,
      %get3A_354 = vector.shape_cast %get3A_353 : vector<1x16xf32> to vector<16xf32>
      %get3A_355 = arith.index_cast %scan3A_164 : i32 to index
      %get3A_356 = arith.constant 176 : index
      %get3A_357 = tpu.vector_load %arg11[%get3A_355, %get3A_356] {strides = array<i32>} : memref<64x256xf32, #tpu.memory_space<vmem>>, vector<1x16xf32>,
      %get3A_358 = vector.shape_cast %get3A_357 : vector<1x16xf32> to vector<16xf32>
      %sub3A_359 = arith.subf %get3A_354, %get3A_358 : vector<16xf32>
      %add3A_360 = arith.addf %get3A_358, %sub3A_359 : vector<16xf32>
      %swap3A_361 = arith.index_cast %scan3A_164 : i32 to index
      %swap3A_362 = arith.constant 176 : index
      %swap3A_363 = tpu.vector_load %arg9[%swap3A_361, %swap3A_362] {strides = array<i32>} : memref<64x256xf32, #tpu.memory_space<vmem>>, vector<1x16xf32>,
      %swap3A_364 = vector.shape_cast %swap3A_363 : vector<1x16xf32> to vector<16xf32>
      %swap3A_365 = vector.shape_cast %add3A_360 : vector<16xf32> to vector<1x16xf32>
      tpu.vector_store %arg9[%swap3A_361, %swap3A_362], %swap3A_365 {strides = array<i32>} : memref<64x256xf32, #tpu.memory_space<vmem>>, vector<1x16xf32>,
      %mul3A_366 = arith.mulf %sub3A_359, %sub3A_359 : vector<16xf32>
      %add3A_367 = arith.addf %add3A_350, %mul3A_366 : vector<16xf32>
      %get3A_368 = arith.index_cast %scan3A_164 : i32 to index
      %get3A_369 = arith.constant 192 : index
      %get3A_370 = tpu.vector_load %arg9[%get3A_368, %get3A_369] {strides = array<i32>} : memref<64x256xf32, #tpu.memory_space<vmem>>, vector<1x16xf32>,
      %get3A_371 = vector.shape_cast %get3A_370 : vector<1x16xf32> to vector<16xf32>
      %get3A_372 = arith.index_cast %scan3A_164 : i32 to index
      %get3A_373 = arith.constant 192 : index
      %get3A_374 = tpu.vector_load %arg11[%get3A_372, %get3A_373] {strides = array<i32>} : memref<64x256xf32, #tpu.memory_space<vmem>>, vector<1x16xf32>,
      %get3A_375 = vector.shape_cast %get3A_374 : vector<1x16xf32> to vector<16xf32>
      %sub3A_376 = arith.subf %get3A_371, %get3A_375 : vector<16xf32>
      %add3A_377 = arith.addf %get3A_375, %sub3A_376 : vector<16xf32>
      %swap3A_378 = arith.index_cast %scan3A_164 : i32 to index
      %swap3A_379 = arith.constant 192 : index
      %swap3A_380 = tpu.vector_load %arg9[%swap3A_378, %swap3A_379] {strides = array<i32>} : memref<64x256xf32, #tpu.memory_space<vmem>>, vector<1x16xf32>,
      %swap3A_381 = vector.shape_cast %swap3A_380 : vector<1x16xf32> to vector<16xf32>
      %swap3A_382 = vector.shape_cast %add3A_377 : vector<16xf32> to vector<1x16xf32>
      tpu.vector_store %arg9[%swap3A_378, %swap3A_379], %swap3A_382 {strides = array<i32>} : memref<64x256xf32, #tpu.memory_space<vmem>>, vector<1x16xf32>,
      %mul3A_383 = arith.mulf %sub3A_376, %sub3A_376 : vector<16xf32>
      %add3A_384 = arith.addf %add3A_367, %mul3A_383 : vector<16xf32>
      %get3A_385 = arith.index_cast %scan3A_164 : i32 to index
      %get3A_386 = arith.constant 208 : index
      %get3A_387 = tpu.vector_load %arg9[%get3A_385, %get3A_386] {strides = array<i32>} : memref<64x256xf32, #tpu.memory_space<vmem>>, vector<1x16xf32>,
      %get3A_388 = vector.shape_cast %get3A_387 : vector<1x16xf32> to vector<16xf32>
      %get3A_389 = arith.index_cast %scan3A_164 : i32 to index
      %get3A_390 = arith.constant 208 : index
      %get3A_391 = tpu.vector_load %arg11[%get3A_389, %get3A_390] {strides = array<i32>} : memref<64x256xf32, #tpu.memory_space<vmem>>, vector<1x16xf32>,
      %get3A_392 = vector.shape_cast %get3A_391 : vector<1x16xf32> to vector<16xf32>
      %sub3A_393 = arith.subf %get3A_388, %get3A_392 : vector<16xf32>
      %add3A_394 = arith.addf %get3A_392, %sub3A_393 : vector<16xf32>
      %swap3A_395 = arith.index_cast %scan3A_164 : i32 to index
      %swap3A_396 = arith.constant 208 : index
      %swap3A_397 = tpu.vector_load %arg9[%swap3A_395, %swap3A_396] {strides = array<i32>} : memref<64x256xf32, #tpu.memory_space<vmem>>, vector<1x16xf32>,
      %swap3A_398 = vector.shape_cast %swap3A_397 : vector<1x16xf32> to vector<16xf32>
      %swap3A_399 = vector.shape_cast %add3A_394 : vector<16xf32> to vector<1x16xf32>
      tpu.vector_store %arg9[%swap3A_395, %swap3A_396], %swap3A_399 {strides = array<i32>} : memref<64x256xf32, #tpu.memory_space<vmem>>, vector<1x16xf32>,
      %mul3A_400 = arith.mulf %sub3A_393, %sub3A_393 : vector<16xf32>
      %add3A_401 = arith.addf %add3A_384, %mul3A_400 : vector<16xf32>
      %get3A_402 = arith.index_cast %scan3A_164 : i32 to index
      %get3A_403 = arith.constant 224 : index
      %get3A_404 = tpu.vector_load %arg9[%get3A_402, %get3A_403] {strides = array<i32>} : memref<64x256xf32, #tpu.memory_space<vmem>>, vector<1x16xf32>,
      %get3A_405 = vector.shape_cast %get3A_404 : vector<1x16xf32> to vector<16xf32>
      %get3A_406 = arith.index_cast %scan3A_164 : i32 to index
      %get3A_407 = arith.constant 224 : index
      %get3A_408 = tpu.vector_load %arg11[%get3A_406, %get3A_407] {strides = array<i32>} : memref<64x256xf32, #tpu.memory_space<vmem>>, vector<1x16xf32>,
      %get3A_409 = vector.shape_cast %get3A_408 : vector<1x16xf32> to vector<16xf32>
      %sub3A_410 = arith.subf %get3A_405, %get3A_409 : vector<16xf32>
      %add3A_411 = arith.addf %get3A_409, %sub3A_410 : vector<16xf32>
      %swap3A_412 = arith.index_cast %scan3A_164 : i32 to index
      %swap3A_413 = arith.constant 224 : index
      %swap3A_414 = tpu.vector_load %arg9[%swap3A_412, %swap3A_413] {strides = array<i32>} : memref<64x256xf32, #tpu.memory_space<vmem>>, vector<1x16xf32>,
      %swap3A_415 = vector.shape_cast %swap3A_414 : vector<1x16xf32> to vector<16xf32>
      %swap3A_416 = vector.shape_cast %add3A_411 : vector<16xf32> to vector<1x16xf32>
      tpu.vector_store %arg9[%swap3A_412, %swap3A_413], %swap3A_416 {strides = array<i32>} : memref<64x256xf32, #tpu.memory_space<vmem>>, vector<1x16xf32>,
      %mul3A_417 = arith.mulf %sub3A_410, %sub3A_410 : vector<16xf32>
      %add3A_418 = arith.addf %add3A_401, %mul3A_417 : vector<16xf32>
      %get3A_419 = arith.index_cast %scan3A_164 : i32 to index
      %get3A_420 = arith.constant 240 : index
      %get3A_421 = tpu.vector_load %arg9[%get3A_419, %get3A_420] {strides = array<i32>} : memref<64x256xf32, #tpu.memory_space<vmem>>, vector<1x16xf32>,
      %get3A_422 = vector.shape_cast %get3A_421 : vector<1x16xf32> to vector<16xf32>
      %get3A_423 = arith.index_cast %scan3A_164 : i32 to index
      %get3A_424 = arith.constant 240 : index
      %get3A_425 = tpu.vector_load %arg11[%get3A_423, %get3A_424] {strides = array<i32>} : memref<64x256xf32, #tpu.memory_space<vmem>>, vector<1x16xf32>,
      %get3A_426 = vector.shape_cast %get3A_425 : vector<1x16xf32> to vector<16xf32>
      %sub3A_427 = arith.subf %get3A_422, %get3A_426 : vector<16xf32>
      %add3A_428 = arith.addf %get3A_426, %sub3A_427 : vector<16xf32>
      %swap3A_429 = arith.index_cast %scan3A_164 : i32 to index
      %swap3A_430 = arith.constant 240 : index
      %swap3A_431 = tpu.vector_load %arg9[%swap3A_429, %swap3A_430] {strides = array<i32>} : memref<64x256xf32, #tpu.memory_space<vmem>>, vector<1x16xf32>,
      %swap3A_432 = vector.shape_cast %swap3A_431 : vector<1x16xf32> to vector<16xf32>
      %swap3A_433 = vector.shape_cast %add3A_428 : vector<16xf32> to vector<1x16xf32>
      tpu.vector_store %arg9[%swap3A_429, %swap3A_430], %swap3A_433 {strides = array<i32>} : memref<64x256xf32, #tpu.memory_space<vmem>>, vector<1x16xf32>,
      %mul3A_434 = arith.mulf %sub3A_427, %sub3A_427 : vector<16xf32>
      %add3A_435 = arith.addf %add3A_418, %mul3A_434 : vector<16xf32>
      scf.yield %add3A_435 : vector<16xf32>
    }
    %scan3A_79 = arith.constant 64 : i32
    %add3A_80 = arith.constant 64 : i32
    %add3A_81 = arith.addi %mul3A_2, %add3A_80 : i32
    %dma_start3A_82 = arith.constant 0 : i32
    %dma_start3A_83 = tpu.memref_slice %arg5[%add3A_81, %dma_start3A_82] : memref<8192x256xf32, #tpu.memory_space<hbm>> -> memref<64x256xf32, #tpu.memory_space<hbm>>
    %dma_start3A_84 = arith.constant 0 : i32
    %dma_start3A_85 = tpu.memref_slice %arg5[%add3A_81, %dma_start3A_84] : memref<8192x256xf32, #tpu.memory_space<hbm>> -> memref<64x256xf32, #tpu.memory_space<hbm>>
    tpu.enqueue_dma source(%arg9 : memref<64x256xf32, #tpu.memory_space<vmem>>) target(%dma_start3A_85 : memref<64x256xf32, #tpu.memory_space<hbm>>) target_semaphore(%arg18 : memref<!tpu.dma_semaphore, #tpu.memory_space<semaphore_mem>>)
    %add3A_86 = arith.constant 64 : i32
    %add3A_87 = arith.addi %mul3A_2, %add3A_86 : i32
    %dma_wait3A_88 = arith.constant 0 : i32
    %dma_wait3A_89 = tpu.memref_slice %arg5[%add3A_87, %dma_wait3A_88] : memref<8192x256xf32, #tpu.memory_space<hbm>> -> memref<64x256xf32, #tpu.memory_space<hbm>>
    %dma_wait3A_90 = arith.constant 0 : i32
    %dma_wait3A_91 = tpu.memref_slice %arg5[%add3A_87, %dma_wait3A_90] : memref<8192x256xf32, #tpu.memory_space<hbm>> -> memref<64x256xf32, #tpu.memory_space<hbm>>
    tpu.wait_dma2 semaphore(%arg18 : memref<!tpu.dma_semaphore, #tpu.memory_space<semaphore_mem>>) src(%arg9 : memref<64x256xf32, #tpu.memory_space<vmem>>) dst(%dma_wait3A_91 : memref<64x256xf32, #tpu.memory_space<hbm>>)
    %add3A_92 = arith.constant 192 : i32
    %add3A_93 = arith.addi %mul3A_2, %add3A_92 : i32
    %dma_start3A_94 = arith.constant 192 : i32
    %dma_start3A_95 = tpu.memref_slice %arg7[%dma_start3A_94] : memref<256xi32, #tpu.memory_space<vmem>> -> memref<64xi32, #tpu.memory_space<vmem>>
    %dma_start3A_96 = arith.constant 0 : i32
    %dma_start3A_97 = arith.constant 0 : i32
    %dma_start3A_98 = tpu.memref_slice %arg2[%dma_start3A_96, %dma_start3A_97] : memref<8192x256xf32, #tpu.memory_space<hbm>> -> memref<8192x256xf32, #tpu.memory_space<hbm>>
    tpu.enqueue_indirect_dma source(%dma_start3A_98 : memref<8192x256xf32, #tpu.memory_space<hbm>>) target(%arg9 : memref<64x256xf32, #tpu.memory_space<vmem>>) offsets(%dma_start3A_95 : memref<64xi32, #tpu.memory_space<vmem>>) semaphore(%arg14 : memref<!tpu.dma_semaphore, #tpu.memory_space<semaphore_mem>>)
    %dma_start3A_99 = arith.constant 0 : i32
    %dma_start3A_100 = tpu.memref_slice %arg4[%add3A_93, %dma_start3A_99] : memref<8192x256xf32, #tpu.memory_space<hbm>> -> memref<64x256xf32, #tpu.memory_space<hbm>>
    %dma_start3A_101 = arith.constant 0 : i32
    %dma_start3A_102 = tpu.memref_slice %arg4[%add3A_93, %dma_start3A_101] : memref<8192x256xf32, #tpu.memory_space<hbm>> -> memref<64x256xf32, #tpu.memory_space<hbm>>
    tpu.enqueue_dma source(%dma_start3A_102 : memref<64x256xf32, #tpu.memory_space<hbm>>) target(%arg11 : memref<64x256xf32, #tpu.memory_space<vmem>>) target_semaphore(%arg16 : memref<!tpu.dma_semaphore, #tpu.memory_space<semaphore_mem>>)
    %dma_wait3A_103 = arith.constant 128 : i32
    %dma_wait3A_104 = tpu.memref_slice %arg7[%dma_wait3A_103] : memref<256xi32, #tpu.memory_space<vmem>> -> memref<64xi32, #tpu.memory_space<vmem>>
    %dma_wait3A_105 = arith.constant 0 : i32
    %dma_wait3A_106 = arith.constant 0 : i32
    %dma_wait3A_107 = tpu.memref_slice %arg2[%dma_wait3A_105, %dma_wait3A_106] : memref<8192x256xf32, #tpu.memory_space<hbm>> -> memref<8192x256xf32, #tpu.memory_space<hbm>>
    tpu.wait_indirect_dma semaphore(%arg13 : memref<!tpu.dma_semaphore, #tpu.memory_space<semaphore_mem>>) src(%dma_wait3A_107 : memref<8192x256xf32, #tpu.memory_space<hbm>>) dst(%arg8 : memref<64x256xf32, #tpu.memory_space<vmem>>)
    %add3A_108 = arith.constant 128 : i32
    %add3A_109 = arith.addi %mul3A_2, %add3A_108 : i32
    %dma_wait3A_110 = arith.constant 0 : i32
    %dma_wait3A_111 = tpu.memref_slice %arg4[%add3A_109, %dma_wait3A_110] : memref<8192x256xf32, #tpu.memory_space<hbm>> -> memref<64x256xf32, #tpu.memory_space<hbm>>
    %dma_wait3A_112 = arith.constant 0 : i32
    %dma_wait3A_113 = tpu.memref_slice %arg4[%add3A_109, %dma_wait3A_112] : memref<8192x256xf32, #tpu.memory_space<hbm>> -> memref<64x256xf32, #tpu.memory_space<hbm>>
    tpu.wait_dma2 semaphore(%arg15 : memref<!tpu.dma_semaphore, #tpu.memory_space<semaphore_mem>>) src(%dma_wait3A_113 : memref<64x256xf32, #tpu.memory_space<hbm>>) dst(%arg10 : memref<64x256xf32, #tpu.memory_space<vmem>>)
    %scan3A_114 = arith.constant 0 : i32
    %scan3A_115 = arith.constant 64 : i32
    %scan3A_116 = arith.addi %scan3A_114, %scan3A_115 : i32
    %scan3A_117 = arith.constant 1 : i32
    %scan3A_118 = scf.for %scan3A_164 = %scan3A_114 to %scan3A_116 step %scan3A_117 iter_args(%scan3A_165 = %scan3A_78) -> (vector<16xf32>)  : i32 {
      %get3A = arith.index_cast %scan3A_164 : i32 to index
      %get3A_166 = arith.constant 0 : index
      %get3A_167 = tpu.vector_load %arg8[%get3A, %get3A_166] {strides = array<i32>} : memref<64x256xf32, #tpu.memory_space<vmem>>, vector<1x16xf32>,
      %get3A_168 = vector.shape_cast %get3A_167 : vector<1x16xf32> to vector<16xf32>
      %get3A_169 = arith.index_cast %scan3A_164 : i32 to index
      %get3A_170 = arith.constant 0 : index
      %get3A_171 = tpu.vector_load %arg10[%get3A_169, %get3A_170] {strides = array<i32>} : memref<64x256xf32, #tpu.memory_space<vmem>>, vector<1x16xf32>,
      %get3A_172 = vector.shape_cast %get3A_171 : vector<1x16xf32> to vector<16xf32>
      %sub3A = arith.subf %get3A_168, %get3A_172 : vector<16xf32>
      %add3A_173 = arith.addf %get3A_172, %sub3A : vector<16xf32>
      %swap3A_174 = arith.index_cast %scan3A_164 : i32 to index
      %swap3A_175 = arith.constant 0 : index
      %swap3A_176 = tpu.vector_load %arg8[%swap3A_174, %swap3A_175] {strides = array<i32>} : memref<64x256xf32, #tpu.memory_space<vmem>>, vector<1x16xf32>,
      %swap3A_177 = vector.shape_cast %swap3A_176 : vector<1x16xf32> to vector<16xf32>
      %swap3A_178 = vector.shape_cast %add3A_173 : vector<16xf32> to vector<1x16xf32>
      tpu.vector_store %arg8[%swap3A_174, %swap3A_175], %swap3A_178 {strides = array<i32>} : memref<64x256xf32, #tpu.memory_space<vmem>>, vector<1x16xf32>,
      %mul3A_179 = arith.mulf %sub3A, %sub3A : vector<16xf32>
      %add3A_180 = arith.addf %scan3A_165, %mul3A_179 : vector<16xf32>
      %get3A_181 = arith.index_cast %scan3A_164 : i32 to index
      %get3A_182 = arith.constant 16 : index
      %get3A_183 = tpu.vector_load %arg8[%get3A_181, %get3A_182] {strides = array<i32>} : memref<64x256xf32, #tpu.memory_space<vmem>>, vector<1x16xf32>,
      %get3A_184 = vector.shape_cast %get3A_183 : vector<1x16xf32> to vector<16xf32>
      %get3A_185 = arith.index_cast %scan3A_164 : i32 to index
      %get3A_186 = arith.constant 16 : index
      %get3A_187 = tpu.vector_load %arg10[%get3A_185, %get3A_186] {strides = array<i32>} : memref<64x256xf32, #tpu.memory_space<vmem>>, vector<1x16xf32>,
      %get3A_188 = vector.shape_cast %get3A_187 : vector<1x16xf32> to vector<16xf32>
      %sub3A_189 = arith.subf %get3A_184, %get3A_188 : vector<16xf32>
      %add3A_190 = arith.addf %get3A_188, %sub3A_189 : vector<16xf32>
      %swap3A_191 = arith.index_cast %scan3A_164 : i32 to index
      %swap3A_192 = arith.constant 16 : index
      %swap3A_193 = tpu.vector_load %arg8[%swap3A_191, %swap3A_192] {strides = array<i32>} : memref<64x256xf32, #tpu.memory_space<vmem>>, vector<1x16xf32>,
      %swap3A_194 = vector.shape_cast %swap3A_193 : vector<1x16xf32> to vector<16xf32>
      %swap3A_195 = vector.shape_cast %add3A_190 : vector<16xf32> to vector<1x16xf32>
      tpu.vector_store %arg8[%swap3A_191, %swap3A_192], %swap3A_195 {strides = array<i32>} : memref<64x256xf32, #tpu.memory_space<vmem>>, vector<1x16xf32>,
      %mul3A_196 = arith.mulf %sub3A_189, %sub3A_189 : vector<16xf32>
      %add3A_197 = arith.addf %add3A_180, %mul3A_196 : vector<16xf32>
      %get3A_198 = arith.index_cast %scan3A_164 : i32 to index
      %get3A_199 = arith.constant 32 : index
      %get3A_200 = tpu.vector_load %arg8[%get3A_198, %get3A_199] {strides = array<i32>} : memref<64x256xf32, #tpu.memory_space<vmem>>, vector<1x16xf32>,
      %get3A_201 = vector.shape_cast %get3A_200 : vector<1x16xf32> to vector<16xf32>
      %get3A_202 = arith.index_cast %scan3A_164 : i32 to index
      %get3A_203 = arith.constant 32 : index
      %get3A_204 = tpu.vector_load %arg10[%get3A_202, %get3A_203] {strides = array<i32>} : memref<64x256xf32, #tpu.memory_space<vmem>>, vector<1x16xf32>,
      %get3A_205 = vector.shape_cast %get3A_204 : vector<1x16xf32> to vector<16xf32>
      %sub3A_206 = arith.subf %get3A_201, %get3A_205 : vector<16xf32>
      %add3A_207 = arith.addf %get3A_205, %sub3A_206 : vector<16xf32>
      %swap3A_208 = arith.index_cast %scan3A_164 : i32 to index
      %swap3A_209 = arith.constant 32 : index
      %swap3A_210 = tpu.vector_load %arg8[%swap3A_208, %swap3A_209] {strides = array<i32>} : memref<64x256xf32, #tpu.memory_space<vmem>>, vector<1x16xf32>,
      %swap3A_211 = vector.shape_cast %swap3A_210 : vector<1x16xf32> to vector<16xf32>
      %swap3A_212 = vector.shape_cast %add3A_207 : vector<16xf32> to vector<1x16xf32>
      tpu.vector_store %arg8[%swap3A_208, %swap3A_209], %swap3A_212 {strides = array<i32>} : memref<64x256xf32, #tpu.memory_space<vmem>>, vector<1x16xf32>,
      %mul3A_213 = arith.mulf %sub3A_206, %sub3A_206 : vector<16xf32>
      %add3A_214 = arith.addf %add3A_197, %mul3A_213 : vector<16xf32>
      %get3A_215 = arith.index_cast %scan3A_164 : i32 to index
      %get3A_216 = arith.constant 48 : index
      %get3A_217 = tpu.vector_load %arg8[%get3A_215, %get3A_216] {strides = array<i32>} : memref<64x256xf32, #tpu.memory_space<vmem>>, vector<1x16xf32>,
      %get3A_218 = vector.shape_cast %get3A_217 : vector<1x16xf32> to vector<16xf32>
      %get3A_219 = arith.index_cast %scan3A_164 : i32 to index
      %get3A_220 = arith.constant 48 : index
      %get3A_221 = tpu.vector_load %arg10[%get3A_219, %get3A_220] {strides = array<i32>} : memref<64x256xf32, #tpu.memory_space<vmem>>, vector<1x16xf32>,
      %get3A_222 = vector.shape_cast %get3A_221 : vector<1x16xf32> to vector<16xf32>
      %sub3A_223 = arith.subf %get3A_218, %get3A_222 : vector<16xf32>
      %add3A_224 = arith.addf %get3A_222, %sub3A_223 : vector<16xf32>
      %swap3A_225 = arith.index_cast %scan3A_164 : i32 to index
      %swap3A_226 = arith.constant 48 : index
      %swap3A_227 = tpu.vector_load %arg8[%swap3A_225, %swap3A_226] {strides = array<i32>} : memref<64x256xf32, #tpu.memory_space<vmem>>, vector<1x16xf32>,
      %swap3A_228 = vector.shape_cast %swap3A_227 : vector<1x16xf32> to vector<16xf32>
      %swap3A_229 = vector.shape_cast %add3A_224 : vector<16xf32> to vector<1x16xf32>
      tpu.vector_store %arg8[%swap3A_225, %swap3A_226], %swap3A_229 {strides = array<i32>} : memref<64x256xf32, #tpu.memory_space<vmem>>, vector<1x16xf32>,
      %mul3A_230 = arith.mulf %sub3A_223, %sub3A_223 : vector<16xf32>
      %add3A_231 = arith.addf %add3A_214, %mul3A_230 : vector<16xf32>
      %get3A_232 = arith.index_cast %scan3A_164 : i32 to index
      %get3A_233 = arith.constant 64 : index
      %get3A_234 = tpu.vector_load %arg8[%get3A_232, %get3A_233] {strides = array<i32>} : memref<64x256xf32, #tpu.memory_space<vmem>>, vector<1x16xf32>,
      %get3A_235 = vector.shape_cast %get3A_234 : vector<1x16xf32> to vector<16xf32>
      %get3A_236 = arith.index_cast %scan3A_164 : i32 to index
      %get3A_237 = arith.constant 64 : index
      %get3A_238 = tpu.vector_load %arg10[%get3A_236, %get3A_237] {strides = array<i32>} : memref<64x256xf32, #tpu.memory_space<vmem>>, vector<1x16xf32>,
      %get3A_239 = vector.shape_cast %get3A_238 : vector<1x16xf32> to vector<16xf32>
      %sub3A_240 = arith.subf %get3A_235, %get3A_239 : vector<16xf32>
      %add3A_241 = arith.addf %get3A_239, %sub3A_240 : vector<16xf32>
      %swap3A_242 = arith.index_cast %scan3A_164 : i32 to index
      %swap3A_243 = arith.constant 64 : index
      %swap3A_244 = tpu.vector_load %arg8[%swap3A_242, %swap3A_243] {strides = array<i32>} : memref<64x256xf32, #tpu.memory_space<vmem>>, vector<1x16xf32>,
      %swap3A_245 = vector.shape_cast %swap3A_244 : vector<1x16xf32> to vector<16xf32>
      %swap3A_246 = vector.shape_cast %add3A_241 : vector<16xf32> to vector<1x16xf32>
      tpu.vector_store %arg8[%swap3A_242, %swap3A_243], %swap3A_246 {strides = array<i32>} : memref<64x256xf32, #tpu.memory_space<vmem>>, vector<1x16xf32>,
      %mul3A_247 = arith.mulf %sub3A_240, %sub3A_240 : vector<16xf32>
      %add3A_248 = arith.addf %add3A_231, %mul3A_247 : vector<16xf32>
      %get3A_249 = arith.index_cast %scan3A_164 : i32 to index
      %get3A_250 = arith.constant 80 : index
      %get3A_251 = tpu.vector_load %arg8[%get3A_249, %get3A_250] {strides = array<i32>} : memref<64x256xf32, #tpu.memory_space<vmem>>, vector<1x16xf32>,
      %get3A_252 = vector.shape_cast %get3A_251 : vector<1x16xf32> to vector<16xf32>
      %get3A_253 = arith.index_cast %scan3A_164 : i32 to index
      %get3A_254 = arith.constant 80 : index
      %get3A_255 = tpu.vector_load %arg10[%get3A_253, %get3A_254] {strides = array<i32>} : memref<64x256xf32, #tpu.memory_space<vmem>>, vector<1x16xf32>,
      %get3A_256 = vector.shape_cast %get3A_255 : vector<1x16xf32> to vector<16xf32>
      %sub3A_257 = arith.subf %get3A_252, %get3A_256 : vector<16xf32>
      %add3A_258 = arith.addf %get3A_256, %sub3A_257 : vector<16xf32>
      %swap3A_259 = arith.index_cast %scan3A_164 : i32 to index
      %swap3A_260 = arith.constant 80 : index
      %swap3A_261 = tpu.vector_load %arg8[%swap3A_259, %swap3A_260] {strides = array<i32>} : memref<64x256xf32, #tpu.memory_space<vmem>>, vector<1x16xf32>,
      %swap3A_262 = vector.shape_cast %swap3A_261 : vector<1x16xf32> to vector<16xf32>
      %swap3A_263 = vector.shape_cast %add3A_258 : vector<16xf32> to vector<1x16xf32>
      tpu.vector_store %arg8[%swap3A_259, %swap3A_260], %swap3A_263 {strides = array<i32>} : memref<64x256xf32, #tpu.memory_space<vmem>>, vector<1x16xf32>,
      %mul3A_264 = arith.mulf %sub3A_257, %sub3A_257 : vector<16xf32>
      %add3A_265 = arith.addf %add3A_248, %mul3A_264 : vector<16xf32>
      %get3A_266 = arith.index_cast %scan3A_164 : i32 to index
      %get3A_267 = arith.constant 96 : index
      %get3A_268 = tpu.vector_load %arg8[%get3A_266, %get3A_267] {strides = array<i32>} : memref<64x256xf32, #tpu.memory_space<vmem>>, vector<1x16xf32>,
      %get3A_269 = vector.shape_cast %get3A_268 : vector<1x16xf32> to vector<16xf32>
      %get3A_270 = arith.index_cast %scan3A_164 : i32 to index
      %get3A_271 = arith.constant 96 : index
      %get3A_272 = tpu.vector_load %arg10[%get3A_270, %get3A_271] {strides = array<i32>} : memref<64x256xf32, #tpu.memory_space<vmem>>, vector<1x16xf32>,
      %get3A_273 = vector.shape_cast %get3A_272 : vector<1x16xf32> to vector<16xf32>
      %sub3A_274 = arith.subf %get3A_269, %get3A_273 : vector<16xf32>
      %add3A_275 = arith.addf %get3A_273, %sub3A_274 : vector<16xf32>
      %swap3A_276 = arith.index_cast %scan3A_164 : i32 to index
      %swap3A_277 = arith.constant 96 : index
      %swap3A_278 = tpu.vector_load %arg8[%swap3A_276, %swap3A_277] {strides = array<i32>} : memref<64x256xf32, #tpu.memory_space<vmem>>, vector<1x16xf32>,
      %swap3A_279 = vector.shape_cast %swap3A_278 : vector<1x16xf32> to vector<16xf32>
      %swap3A_280 = vector.shape_cast %add3A_275 : vector<16xf32> to vector<1x16xf32>
      tpu.vector_store %arg8[%swap3A_276, %swap3A_277], %swap3A_280 {strides = array<i32>} : memref<64x256xf32, #tpu.memory_space<vmem>>, vector<1x16xf32>,
      %mul3A_281 = arith.mulf %sub3A_274, %sub3A_274 : vector<16xf32>
      %add3A_282 = arith.addf %add3A_265, %mul3A_281 : vector<16xf32>
      %get3A_283 = arith.index_cast %scan3A_164 : i32 to index
      %get3A_284 = arith.constant 112 : index
      %get3A_285 = tpu.vector_load %arg8[%get3A_283, %get3A_284] {strides = array<i32>} : memref<64x256xf32, #tpu.memory_space<vmem>>, vector<1x16xf32>,
      %get3A_286 = vector.shape_cast %get3A_285 : vector<1x16xf32> to vector<16xf32>
      %get3A_287 = arith.index_cast %scan3A_164 : i32 to index
      %get3A_288 = arith.constant 112 : index
      %get3A_289 = tpu.vector_load %arg10[%get3A_287, %get3A_288] {strides = array<i32>} : memref<64x256xf32, #tpu.memory_space<vmem>>, vector<1x16xf32>,
      %get3A_290 = vector.shape_cast %get3A_289 : vector<1x16xf32> to vector<16xf32>
      %sub3A_291 = arith.subf %get3A_286, %get3A_290 : vector<16xf32>
      %add3A_292 = arith.addf %get3A_290, %sub3A_291 : vector<16xf32>
      %swap3A_293 = arith.index_cast %scan3A_164 : i32 to index
      %swap3A_294 = arith.constant 112 : index
      %swap3A_295 = tpu.vector_load %arg8[%swap3A_293, %swap3A_294] {strides = array<i32>} : memref<64x256xf32, #tpu.memory_space<vmem>>, vector<1x16xf32>,
      %swap3A_296 = vector.shape_cast %swap3A_295 : vector<1x16xf32> to vector<16xf32>
      %swap3A_297 = vector.shape_cast %add3A_292 : vector<16xf32> to vector<1x16xf32>
      tpu.vector_store %arg8[%swap3A_293, %swap3A_294], %swap3A_297 {strides = array<i32>} : memref<64x256xf32, #tpu.memory_space<vmem>>, vector<1x16xf32>,
      %mul3A_298 = arith.mulf %sub3A_291, %sub3A_291 : vector<16xf32>
      %add3A_299 = arith.addf %add3A_282, %mul3A_298 : vector<16xf32>
      %get3A_300 = arith.index_cast %scan3A_164 : i32 to index
      %get3A_301 = arith.constant 128 : index
      %get3A_302 = tpu.vector_load %arg8[%get3A_300, %get3A_301] {strides = array<i32>} : memref<64x256xf32, #tpu.memory_space<vmem>>, vector<1x16xf32>,
      %get3A_303 = vector.shape_cast %get3A_302 : vector<1x16xf32> to vector<16xf32>
      %get3A_304 = arith.index_cast %scan3A_164 : i32 to index
      %get3A_305 = arith.constant 128 : index
      %get3A_306 = tpu.vector_load %arg10[%get3A_304, %get3A_305] {strides = array<i32>} : memref<64x256xf32, #tpu.memory_space<vmem>>, vector<1x16xf32>,
      %get3A_307 = vector.shape_cast %get3A_306 : vector<1x16xf32> to vector<16xf32>
      %sub3A_308 = arith.subf %get3A_303, %get3A_307 : vector<16xf32>
      %add3A_309 = arith.addf %get3A_307, %sub3A_308 : vector<16xf32>
      %swap3A_310 = arith.index_cast %scan3A_164 : i32 to index
      %swap3A_311 = arith.constant 128 : index
      %swap3A_312 = tpu.vector_load %arg8[%swap3A_310, %swap3A_311] {strides = array<i32>} : memref<64x256xf32, #tpu.memory_space<vmem>>, vector<1x16xf32>,
      %swap3A_313 = vector.shape_cast %swap3A_312 : vector<1x16xf32> to vector<16xf32>
      %swap3A_314 = vector.shape_cast %add3A_309 : vector<16xf32> to vector<1x16xf32>
      tpu.vector_store %arg8[%swap3A_310, %swap3A_311], %swap3A_314 {strides = array<i32>} : memref<64x256xf32, #tpu.memory_space<vmem>>, vector<1x16xf32>,
      %mul3A_315 = arith.mulf %sub3A_308, %sub3A_308 : vector<16xf32>
      %add3A_316 = arith.addf %add3A_299, %mul3A_315 : vector<16xf32>
      %get3A_317 = arith.index_cast %scan3A_164 : i32 to index
      %get3A_318 = arith.constant 144 : index
      %get3A_319 = tpu.vector_load %arg8[%get3A_317, %get3A_318] {strides = array<i32>} : memref<64x256xf32, #tpu.memory_space<vmem>>, vector<1x16xf32>,
      %get3A_320 = vector.shape_cast %get3A_319 : vector<1x16xf32> to vector<16xf32>
      %get3A_321 = arith.index_cast %scan3A_164 : i32 to index
      %get3A_322 = arith.constant 144 : index
      %get3A_323 = tpu.vector_load %arg10[%get3A_321, %get3A_322] {strides = array<i32>} : memref<64x256xf32, #tpu.memory_space<vmem>>, vector<1x16xf32>,
      %get3A_324 = vector.shape_cast %get3A_323 : vector<1x16xf32> to vector<16xf32>
      %sub3A_325 = arith.subf %get3A_320, %get3A_324 : vector<16xf32>
      %add3A_326 = arith.addf %get3A_324, %sub3A_325 : vector<16xf32>
      %swap3A_327 = arith.index_cast %scan3A_164 : i32 to index
      %swap3A_328 = arith.constant 144 : index
      %swap3A_329 = tpu.vector_load %arg8[%swap3A_327, %swap3A_328] {strides = array<i32>} : memref<64x256xf32, #tpu.memory_space<vmem>>, vector<1x16xf32>,
      %swap3A_330 = vector.shape_cast %swap3A_329 : vector<1x16xf32> to vector<16xf32>
      %swap3A_331 = vector.shape_cast %add3A_326 : vector<16xf32> to vector<1x16xf32>
      tpu.vector_store %arg8[%swap3A_327, %swap3A_328], %swap3A_331 {strides = array<i32>} : memref<64x256xf32, #tpu.memory_space<vmem>>, vector<1x16xf32>,
      %mul3A_332 = arith.mulf %sub3A_325, %sub3A_325 : vector<16xf32>
      %add3A_333 = arith.addf %add3A_316, %mul3A_332 : vector<16xf32>
      %get3A_334 = arith.index_cast %scan3A_164 : i32 to index
      %get3A_335 = arith.constant 160 : index
      %get3A_336 = tpu.vector_load %arg8[%get3A_334, %get3A_335] {strides = array<i32>} : memref<64x256xf32, #tpu.memory_space<vmem>>, vector<1x16xf32>,
      %get3A_337 = vector.shape_cast %get3A_336 : vector<1x16xf32> to vector<16xf32>
      %get3A_338 = arith.index_cast %scan3A_164 : i32 to index
      %get3A_339 = arith.constant 160 : index
      %get3A_340 = tpu.vector_load %arg10[%get3A_338, %get3A_339] {strides = array<i32>} : memref<64x256xf32, #tpu.memory_space<vmem>>, vector<1x16xf32>,
      %get3A_341 = vector.shape_cast %get3A_340 : vector<1x16xf32> to vector<16xf32>
      %sub3A_342 = arith.subf %get3A_337, %get3A_341 : vector<16xf32>
      %add3A_343 = arith.addf %get3A_341, %sub3A_342 : vector<16xf32>
      %swap3A_344 = arith.index_cast %scan3A_164 : i32 to index
      %swap3A_345 = arith.constant 160 : index
      %swap3A_346 = tpu.vector_load %arg8[%swap3A_344, %swap3A_345] {strides = array<i32>} : memref<64x256xf32, #tpu.memory_space<vmem>>, vector<1x16xf32>,
      %swap3A_347 = vector.shape_cast %swap3A_346 : vector<1x16xf32> to vector<16xf32>
      %swap3A_348 = vector.shape_cast %add3A_343 : vector<16xf32> to vector<1x16xf32>
      tpu.vector_store %arg8[%swap3A_344, %swap3A_345], %swap3A_348 {strides = array<i32>} : memref<64x256xf32, #tpu.memory_space<vmem>>, vector<1x16xf32>,
      %mul3A_349 = arith.mulf %sub3A_342, %sub3A_342 : vector<16xf32>
      %add3A_350 = arith.addf %add3A_333, %mul3A_349 : vector<16xf32>
      %get3A_351 = arith.index_cast %scan3A_164 : i32 to index
      %get3A_352 = arith.constant 176 : index
      %get3A_353 = tpu.vector_load %arg8[%get3A_351, %get3A_352] {strides = array<i32>} : memref<64x256xf32, #tpu.memory_space<vmem>>, vector<1x16xf32>,
      %get3A_354 = vector.shape_cast %get3A_353 : vector<1x16xf32> to vector<16xf32>
      %get3A_355 = arith.index_cast %scan3A_164 : i32 to index
      %get3A_356 = arith.constant 176 : index
      %get3A_357 = tpu.vector_load %arg10[%get3A_355, %get3A_356] {strides = array<i32>} : memref<64x256xf32, #tpu.memory_space<vmem>>, vector<1x16xf32>,
      %get3A_358 = vector.shape_cast %get3A_357 : vector<1x16xf32> to vector<16xf32>
      %sub3A_359 = arith.subf %get3A_354, %get3A_358 : vector<16xf32>
      %add3A_360 = arith.addf %get3A_358, %sub3A_359 : vector<16xf32>
      %swap3A_361 = arith.index_cast %scan3A_164 : i32 to index
      %swap3A_362 = arith.constant 176 : index
      %swap3A_363 = tpu.vector_load %arg8[%swap3A_361, %swap3A_362] {strides = array<i32>} : memref<64x256xf32, #tpu.memory_space<vmem>>, vector<1x16xf32>,
      %swap3A_364 = vector.shape_cast %swap3A_363 : vector<1x16xf32> to vector<16xf32>
      %swap3A_365 = vector.shape_cast %add3A_360 : vector<16xf32> to vector<1x16xf32>
      tpu.vector_store %arg8[%swap3A_361, %swap3A_362], %swap3A_365 {strides = array<i32>} : memref<64x256xf32, #tpu.memory_space<vmem>>, vector<1x16xf32>,
      %mul3A_366 = arith.mulf %sub3A_359, %sub3A_359 : vector<16xf32>
      %add3A_367 = arith.addf %add3A_350, %mul3A_366 : vector<16xf32>
      %get3A_368 = arith.index_cast %scan3A_164 : i32 to index
      %get3A_369 = arith.constant 192 : index
      %get3A_370 = tpu.vector_load %arg8[%get3A_368, %get3A_369] {strides = array<i32>} : memref<64x256xf32, #tpu.memory_space<vmem>>, vector<1x16xf32>,
      %get3A_371 = vector.shape_cast %get3A_370 : vector<1x16xf32> to vector<16xf32>
      %get3A_372 = arith.index_cast %scan3A_164 : i32 to index
      %get3A_373 = arith.constant 192 : index
      %get3A_374 = tpu.vector_load %arg10[%get3A_372, %get3A_373] {strides = array<i32>} : memref<64x256xf32, #tpu.memory_space<vmem>>, vector<1x16xf32>,
      %get3A_375 = vector.shape_cast %get3A_374 : vector<1x16xf32> to vector<16xf32>
      %sub3A_376 = arith.subf %get3A_371, %get3A_375 : vector<16xf32>
      %add3A_377 = arith.addf %get3A_375, %sub3A_376 : vector<16xf32>
      %swap3A_378 = arith.index_cast %scan3A_164 : i32 to index
      %swap3A_379 = arith.constant 192 : index
      %swap3A_380 = tpu.vector_load %arg8[%swap3A_378, %swap3A_379] {strides = array<i32>} : memref<64x256xf32, #tpu.memory_space<vmem>>, vector<1x16xf32>,
      %swap3A_381 = vector.shape_cast %swap3A_380 : vector<1x16xf32> to vector<16xf32>
      %swap3A_382 = vector.shape_cast %add3A_377 : vector<16xf32> to vector<1x16xf32>
      tpu.vector_store %arg8[%swap3A_378, %swap3A_379], %swap3A_382 {strides = array<i32>} : memref<64x256xf32, #tpu.memory_space<vmem>>, vector<1x16xf32>,
      %mul3A_383 = arith.mulf %sub3A_376, %sub3A_376 : vector<16xf32>
      %add3A_384 = arith.addf %add3A_367, %mul3A_383 : vector<16xf32>
      %get3A_385 = arith.index_cast %scan3A_164 : i32 to index
      %get3A_386 = arith.constant 208 : index
      %get3A_387 = tpu.vector_load %arg8[%get3A_385, %get3A_386] {strides = array<i32>} : memref<64x256xf32, #tpu.memory_space<vmem>>, vector<1x16xf32>,
      %get3A_388 = vector.shape_cast %get3A_387 : vector<1x16xf32> to vector<16xf32>
      %get3A_389 = arith.index_cast %scan3A_164 : i32 to index
      %get3A_390 = arith.constant 208 : index
      %get3A_391 = tpu.vector_load %arg10[%get3A_389, %get3A_390] {strides = array<i32>} : memref<64x256xf32, #tpu.memory_space<vmem>>, vector<1x16xf32>,
      %get3A_392 = vector.shape_cast %get3A_391 : vector<1x16xf32> to vector<16xf32>
      %sub3A_393 = arith.subf %get3A_388, %get3A_392 : vector<16xf32>
      %add3A_394 = arith.addf %get3A_392, %sub3A_393 : vector<16xf32>
      %swap3A_395 = arith.index_cast %scan3A_164 : i32 to index
      %swap3A_396 = arith.constant 208 : index
      %swap3A_397 = tpu.vector_load %arg8[%swap3A_395, %swap3A_396] {strides = array<i32>} : memref<64x256xf32, #tpu.memory_space<vmem>>, vector<1x16xf32>,
      %swap3A_398 = vector.shape_cast %swap3A_397 : vector<1x16xf32> to vector<16xf32>
      %swap3A_399 = vector.shape_cast %add3A_394 : vector<16xf32> to vector<1x16xf32>
      tpu.vector_store %arg8[%swap3A_395, %swap3A_396], %swap3A_399 {strides = array<i32>} : memref<64x256xf32, #tpu.memory_space<vmem>>, vector<1x16xf32>,
      %mul3A_400 = arith.mulf %sub3A_393, %sub3A_393 : vector<16xf32>
      %add3A_401 = arith.addf %add3A_384, %mul3A_400 : vector<16xf32>
      %get3A_402 = arith.index_cast %scan3A_164 : i32 to index
      %get3A_403 = arith.constant 224 : index
      %get3A_404 = tpu.vector_load %arg8[%get3A_402, %get3A_403] {strides = array<i32>} : memref<64x256xf32, #tpu.memory_space<vmem>>, vector<1x16xf32>,
      %get3A_405 = vector.shape_cast %get3A_404 : vector<1x16xf32> to vector<16xf32>
      %get3A_406 = arith.index_cast %scan3A_164 : i32 to index
      %get3A_407 = arith.constant 224 : index
      %get3A_408 = tpu.vector_load %arg10[%get3A_406, %get3A_407] {strides = array<i32>} : memref<64x256xf32, #tpu.memory_space<vmem>>, vector<1x16xf32>,
      %get3A_409 = vector.shape_cast %get3A_408 : vector<1x16xf32> to vector<16xf32>
      %sub3A_410 = arith.subf %get3A_405, %get3A_409 : vector<16xf32>
      %add3A_411 = arith.addf %get3A_409, %sub3A_410 : vector<16xf32>
      %swap3A_412 = arith.index_cast %scan3A_164 : i32 to index
      %swap3A_413 = arith.constant 224 : index
      %swap3A_414 = tpu.vector_load %arg8[%swap3A_412, %swap3A_413] {strides = array<i32>} : memref<64x256xf32, #tpu.memory_space<vmem>>, vector<1x16xf32>,
      %swap3A_415 = vector.shape_cast %swap3A_414 : vector<1x16xf32> to vector<16xf32>
      %swap3A_416 = vector.shape_cast %add3A_411 : vector<16xf32> to vector<1x16xf32>
      tpu.vector_store %arg8[%swap3A_412, %swap3A_413], %swap3A_416 {strides = array<i32>} : memref<64x256xf32, #tpu.memory_space<vmem>>, vector<1x16xf32>,
      %mul3A_417 = arith.mulf %sub3A_410, %sub3A_410 : vector<16xf32>
      %add3A_418 = arith.addf %add3A_401, %mul3A_417 : vector<16xf32>
      %get3A_419 = arith.index_cast %scan3A_164 : i32 to index
      %get3A_420 = arith.constant 240 : index
      %get3A_421 = tpu.vector_load %arg8[%get3A_419, %get3A_420] {strides = array<i32>} : memref<64x256xf32, #tpu.memory_space<vmem>>, vector<1x16xf32>,
      %get3A_422 = vector.shape_cast %get3A_421 : vector<1x16xf32> to vector<16xf32>
      %get3A_423 = arith.index_cast %scan3A_164 : i32 to index
      %get3A_424 = arith.constant 240 : index
      %get3A_425 = tpu.vector_load %arg10[%get3A_423, %get3A_424] {strides = array<i32>} : memref<64x256xf32, #tpu.memory_space<vmem>>, vector<1x16xf32>,
      %get3A_426 = vector.shape_cast %get3A_425 : vector<1x16xf32> to vector<16xf32>
      %sub3A_427 = arith.subf %get3A_422, %get3A_426 : vector<16xf32>
      %add3A_428 = arith.addf %get3A_426, %sub3A_427 : vector<16xf32>
      %swap3A_429 = arith.index_cast %scan3A_164 : i32 to index
      %swap3A_430 = arith.constant 240 : index
      %swap3A_431 = tpu.vector_load %arg8[%swap3A_429, %swap3A_430] {strides = array<i32>} : memref<64x256xf32, #tpu.memory_space<vmem>>, vector<1x16xf32>,
      %swap3A_432 = vector.shape_cast %swap3A_431 : vector<1x16xf32> to vector<16xf32>
      %swap3A_433 = vector.shape_cast %add3A_428 : vector<16xf32> to vector<1x16xf32>
      tpu.vector_store %arg8[%swap3A_429, %swap3A_430], %swap3A_433 {strides = array<i32>} : memref<64x256xf32, #tpu.memory_space<vmem>>, vector<1x16xf32>,
      %mul3A_434 = arith.mulf %sub3A_427, %sub3A_427 : vector<16xf32>
      %add3A_435 = arith.addf %add3A_418, %mul3A_434 : vector<16xf32>
      scf.yield %add3A_435 : vector<16xf32>
    }
    %scan3A_119 = arith.constant 64 : i32
    %add3A_120 = arith.constant 128 : i32
    %add3A_121 = arith.addi %mul3A_2, %add3A_120 : i32
    %dma_start3A_122 = arith.constant 0 : i32
    %dma_start3A_123 = tpu.memref_slice %arg5[%add3A_121, %dma_start3A_122] : memref<8192x256xf32, #tpu.memory_space<hbm>> -> memref<64x256xf32, #tpu.memory_space<hbm>>
    %dma_start3A_124 = arith.constant 0 : i32
    %dma_start3A_125 = tpu.memref_slice %arg5[%add3A_121, %dma_start3A_124] : memref<8192x256xf32, #tpu.memory_space<hbm>> -> memref<64x256xf32, #tpu.memory_space<hbm>>
    tpu.enqueue_dma source(%arg8 : memref<64x256xf32, #tpu.memory_space<vmem>>) target(%dma_start3A_125 : memref<64x256xf32, #tpu.memory_space<hbm>>) target_semaphore(%arg17 : memref<!tpu.dma_semaphore, #tpu.memory_space<semaphore_mem>>)
    %dma_wait3A_126 = arith.constant 192 : i32
    %dma_wait3A_127 = tpu.memref_slice %arg7[%dma_wait3A_126] : memref<256xi32, #tpu.memory_space<vmem>> -> memref<64xi32, #tpu.memory_space<vmem>>
    %dma_wait3A_128 = arith.constant 0 : i32
    %dma_wait3A_129 = arith.constant 0 : i32
    %dma_wait3A_130 = tpu.memref_slice %arg2[%dma_wait3A_128, %dma_wait3A_129] : memref<8192x256xf32, #tpu.memory_space<hbm>> -> memref<8192x256xf32, #tpu.memory_space<hbm>>
    tpu.wait_indirect_dma semaphore(%arg14 : memref<!tpu.dma_semaphore, #tpu.memory_space<semaphore_mem>>) src(%dma_wait3A_130 : memref<8192x256xf32, #tpu.memory_space<hbm>>) dst(%arg9 : memref<64x256xf32, #tpu.memory_space<vmem>>)
    %add3A_131 = arith.constant 192 : i32
    %add3A_132 = arith.addi %mul3A_2, %add3A_131 : i32
    %dma_wait3A_133 = arith.constant 0 : i32
    %dma_wait3A_134 = tpu.memref_slice %arg4[%add3A_132, %dma_wait3A_133] : memref<8192x256xf32, #tpu.memory_space<hbm>> -> memref<64x256xf32, #tpu.memory_space<hbm>>
    %dma_wait3A_135 = arith.constant 0 : i32
    %dma_wait3A_136 = tpu.memref_slice %arg4[%add3A_132, %dma_wait3A_135] : memref<8192x256xf32, #tpu.memory_space<hbm>> -> memref<64x256xf32, #tpu.memory_space<hbm>>
    tpu.wait_dma2 semaphore(%arg16 : memref<!tpu.dma_semaphore, #tpu.memory_space<semaphore_mem>>) src(%dma_wait3A_136 : memref<64x256xf32, #tpu.memory_space<hbm>>) dst(%arg11 : memref<64x256xf32, #tpu.memory_space<vmem>>)
    %scan3A_137 = arith.constant 0 : i32
    %scan3A_138 = arith.constant 64 : i32
    %scan3A_139 = arith.addi %scan3A_137, %scan3A_138 : i32
    %scan3A_140 = arith.constant 1 : i32
    %scan3A_141 = scf.for %scan3A_164 = %scan3A_137 to %scan3A_139 step %scan3A_140 iter_args(%scan3A_165 = %scan3A_118) -> (vector<16xf32>)  : i32 {
      %get3A = arith.index_cast %scan3A_164 : i32 to index
      %get3A_166 = arith.constant 0 : index
      %get3A_167 = tpu.vector_load %arg9[%get3A, %get3A_166] {strides = array<i32>} : memref<64x256xf32, #tpu.memory_space<vmem>>, vector<1x16xf32>,
      %get3A_168 = vector.shape_cast %get3A_167 : vector<1x16xf32> to vector<16xf32>
      %get3A_169 = arith.index_cast %scan3A_164 : i32 to index
      %get3A_170 = arith.constant 0 : index
      %get3A_171 = tpu.vector_load %arg11[%get3A_169, %get3A_170] {strides = array<i32>} : memref<64x256xf32, #tpu.memory_space<vmem>>, vector<1x16xf32>,
      %get3A_172 = vector.shape_cast %get3A_171 : vector<1x16xf32> to vector<16xf32>
      %sub3A = arith.subf %get3A_168, %get3A_172 : vector<16xf32>
      %add3A_173 = arith.addf %get3A_172, %sub3A : vector<16xf32>
      %swap3A_174 = arith.index_cast %scan3A_164 : i32 to index
      %swap3A_175 = arith.constant 0 : index
      %swap3A_176 = tpu.vector_load %arg9[%swap3A_174, %swap3A_175] {strides = array<i32>} : memref<64x256xf32, #tpu.memory_space<vmem>>, vector<1x16xf32>,
      %swap3A_177 = vector.shape_cast %swap3A_176 : vector<1x16xf32> to vector<16xf32>
      %swap3A_178 = vector.shape_cast %add3A_173 : vector<16xf32> to vector<1x16xf32>
      tpu.vector_store %arg9[%swap3A_174, %swap3A_175], %swap3A_178 {strides = array<i32>} : memref<64x256xf32, #tpu.memory_space<vmem>>, vector<1x16xf32>,
      %mul3A_179 = arith.mulf %sub3A, %sub3A : vector<16xf32>
      %add3A_180 = arith.addf %scan3A_165, %mul3A_179 : vector<16xf32>
      %get3A_181 = arith.index_cast %scan3A_164 : i32 to index
      %get3A_182 = arith.constant 16 : index
      %get3A_183 = tpu.vector_load %arg9[%get3A_181, %get3A_182] {strides = array<i32>} : memref<64x256xf32, #tpu.memory_space<vmem>>, vector<1x16xf32>,
      %get3A_184 = vector.shape_cast %get3A_183 : vector<1x16xf32> to vector<16xf32>
      %get3A_185 = arith.index_cast %scan3A_164 : i32 to index
      %get3A_186 = arith.constant 16 : index
      %get3A_187 = tpu.vector_load %arg11[%get3A_185, %get3A_186] {strides = array<i32>} : memref<64x256xf32, #tpu.memory_space<vmem>>, vector<1x16xf32>,
      %get3A_188 = vector.shape_cast %get3A_187 : vector<1x16xf32> to vector<16xf32>
      %sub3A_189 = arith.subf %get3A_184, %get3A_188 : vector<16xf32>
      %add3A_190 = arith.addf %get3A_188, %sub3A_189 : vector<16xf32>
      %swap3A_191 = arith.index_cast %scan3A_164 : i32 to index
      %swap3A_192 = arith.constant 16 : index
      %swap3A_193 = tpu.vector_load %arg9[%swap3A_191, %swap3A_192] {strides = array<i32>} : memref<64x256xf32, #tpu.memory_space<vmem>>, vector<1x16xf32>,
      %swap3A_194 = vector.shape_cast %swap3A_193 : vector<1x16xf32> to vector<16xf32>
      %swap3A_195 = vector.shape_cast %add3A_190 : vector<16xf32> to vector<1x16xf32>
      tpu.vector_store %arg9[%swap3A_191, %swap3A_192], %swap3A_195 {strides = array<i32>} : memref<64x256xf32, #tpu.memory_space<vmem>>, vector<1x16xf32>,
      %mul3A_196 = arith.mulf %sub3A_189, %sub3A_189 : vector<16xf32>
      %add3A_197 = arith.addf %add3A_180, %mul3A_196 : vector<16xf32>
      %get3A_198 = arith.index_cast %scan3A_164 : i32 to index
      %get3A_199 = arith.constant 32 : index
      %get3A_200 = tpu.vector_load %arg9[%get3A_198, %get3A_199] {strides = array<i32>} : memref<64x256xf32, #tpu.memory_space<vmem>>, vector<1x16xf32>,
      %get3A_201 = vector.shape_cast %get3A_200 : vector<1x16xf32> to vector<16xf32>
      %get3A_202 = arith.index_cast %scan3A_164 : i32 to index
      %get3A_203 = arith.constant 32 : index
      %get3A_204 = tpu.vector_load %arg11[%get3A_202, %get3A_203] {strides = array<i32>} : memref<64x256xf32, #tpu.memory_space<vmem>>, vector<1x16xf32>,
      %get3A_205 = vector.shape_cast %get3A_204 : vector<1x16xf32> to vector<16xf32>
      %sub3A_206 = arith.subf %get3A_201, %get3A_205 : vector<16xf32>
      %add3A_207 = arith.addf %get3A_205, %sub3A_206 : vector<16xf32>
      %swap3A_208 = arith.index_cast %scan3A_164 : i32 to index
      %swap3A_209 = arith.constant 32 : index
      %swap3A_210 = tpu.vector_load %arg9[%swap3A_208, %swap3A_209] {strides = array<i32>} : memref<64x256xf32, #tpu.memory_space<vmem>>, vector<1x16xf32>,
      %swap3A_211 = vector.shape_cast %swap3A_210 : vector<1x16xf32> to vector<16xf32>
      %swap3A_212 = vector.shape_cast %add3A_207 : vector<16xf32> to vector<1x16xf32>
      tpu.vector_store %arg9[%swap3A_208, %swap3A_209], %swap3A_212 {strides = array<i32>} : memref<64x256xf32, #tpu.memory_space<vmem>>, vector<1x16xf32>,
      %mul3A_213 = arith.mulf %sub3A_206, %sub3A_206 : vector<16xf32>
      %add3A_214 = arith.addf %add3A_197, %mul3A_213 : vector<16xf32>
      %get3A_215 = arith.index_cast %scan3A_164 : i32 to index
      %get3A_216 = arith.constant 48 : index
      %get3A_217 = tpu.vector_load %arg9[%get3A_215, %get3A_216] {strides = array<i32>} : memref<64x256xf32, #tpu.memory_space<vmem>>, vector<1x16xf32>,
      %get3A_218 = vector.shape_cast %get3A_217 : vector<1x16xf32> to vector<16xf32>
      %get3A_219 = arith.index_cast %scan3A_164 : i32 to index
      %get3A_220 = arith.constant 48 : index
      %get3A_221 = tpu.vector_load %arg11[%get3A_219, %get3A_220] {strides = array<i32>} : memref<64x256xf32, #tpu.memory_space<vmem>>, vector<1x16xf32>,
      %get3A_222 = vector.shape_cast %get3A_221 : vector<1x16xf32> to vector<16xf32>
      %sub3A_223 = arith.subf %get3A_218, %get3A_222 : vector<16xf32>
      %add3A_224 = arith.addf %get3A_222, %sub3A_223 : vector<16xf32>
      %swap3A_225 = arith.index_cast %scan3A_164 : i32 to index
      %swap3A_226 = arith.constant 48 : index
      %swap3A_227 = tpu.vector_load %arg9[%swap3A_225, %swap3A_226] {strides = array<i32>} : memref<64x256xf32, #tpu.memory_space<vmem>>, vector<1x16xf32>,
      %swap3A_228 = vector.shape_cast %swap3A_227 : vector<1x16xf32> to vector<16xf32>
      %swap3A_229 = vector.shape_cast %add3A_224 : vector<16xf32> to vector<1x16xf32>
      tpu.vector_store %arg9[%swap3A_225, %swap3A_226], %swap3A_229 {strides = array<i32>} : memref<64x256xf32, #tpu.memory_space<vmem>>, vector<1x16xf32>,
      %mul3A_230 = arith.mulf %sub3A_223, %sub3A_223 : vector<16xf32>
      %add3A_231 = arith.addf %add3A_214, %mul3A_230 : vector<16xf32>
      %get3A_232 = arith.index_cast %scan3A_164 : i32 to index
      %get3A_233 = arith.constant 64 : index
      %get3A_234 = tpu.vector_load %arg9[%get3A_232, %get3A_233] {strides = array<i32>} : memref<64x256xf32, #tpu.memory_space<vmem>>, vector<1x16xf32>,
      %get3A_235 = vector.shape_cast %get3A_234 : vector<1x16xf32> to vector<16xf32>
      %get3A_236 = arith.index_cast %scan3A_164 : i32 to index
      %get3A_237 = arith.constant 64 : index
      %get3A_238 = tpu.vector_load %arg11[%get3A_236, %get3A_237] {strides = array<i32>} : memref<64x256xf32, #tpu.memory_space<vmem>>, vector<1x16xf32>,
      %get3A_239 = vector.shape_cast %get3A_238 : vector<1x16xf32> to vector<16xf32>
      %sub3A_240 = arith.subf %get3A_235, %get3A_239 : vector<16xf32>
      %add3A_241 = arith.addf %get3A_239, %sub3A_240 : vector<16xf32>
      %swap3A_242 = arith.index_cast %scan3A_164 : i32 to index
      %swap3A_243 = arith.constant 64 : index
      %swap3A_244 = tpu.vector_load %arg9[%swap3A_242, %swap3A_243] {strides = array<i32>} : memref<64x256xf32, #tpu.memory_space<vmem>>, vector<1x16xf32>,
      %swap3A_245 = vector.shape_cast %swap3A_244 : vector<1x16xf32> to vector<16xf32>
      %swap3A_246 = vector.shape_cast %add3A_241 : vector<16xf32> to vector<1x16xf32>
      tpu.vector_store %arg9[%swap3A_242, %swap3A_243], %swap3A_246 {strides = array<i32>} : memref<64x256xf32, #tpu.memory_space<vmem>>, vector<1x16xf32>,
      %mul3A_247 = arith.mulf %sub3A_240, %sub3A_240 : vector<16xf32>
      %add3A_248 = arith.addf %add3A_231, %mul3A_247 : vector<16xf32>
      %get3A_249 = arith.index_cast %scan3A_164 : i32 to index
      %get3A_250 = arith.constant 80 : index
      %get3A_251 = tpu.vector_load %arg9[%get3A_249, %get3A_250] {strides = array<i32>} : memref<64x256xf32, #tpu.memory_space<vmem>>, vector<1x16xf32>,
      %get3A_252 = vector.shape_cast %get3A_251 : vector<1x16xf32> to vector<16xf32>
      %get3A_253 = arith.index_cast %scan3A_164 : i32 to index
      %get3A_254 = arith.constant 80 : index
      %get3A_255 = tpu.vector_load %arg11[%get3A_253, %get3A_254] {strides = array<i32>} : memref<64x256xf32, #tpu.memory_space<vmem>>, vector<1x16xf32>,
      %get3A_256 = vector.shape_cast %get3A_255 : vector<1x16xf32> to vector<16xf32>
      %sub3A_257 = arith.subf %get3A_252, %get3A_256 : vector<16xf32>
      %add3A_258 = arith.addf %get3A_256, %sub3A_257 : vector<16xf32>
      %swap3A_259 = arith.index_cast %scan3A_164 : i32 to index
      %swap3A_260 = arith.constant 80 : index
      %swap3A_261 = tpu.vector_load %arg9[%swap3A_259, %swap3A_260] {strides = array<i32>} : memref<64x256xf32, #tpu.memory_space<vmem>>, vector<1x16xf32>,
      %swap3A_262 = vector.shape_cast %swap3A_261 : vector<1x16xf32> to vector<16xf32>
      %swap3A_263 = vector.shape_cast %add3A_258 : vector<16xf32> to vector<1x16xf32>
      tpu.vector_store %arg9[%swap3A_259, %swap3A_260], %swap3A_263 {strides = array<i32>} : memref<64x256xf32, #tpu.memory_space<vmem>>, vector<1x16xf32>,
      %mul3A_264 = arith.mulf %sub3A_257, %sub3A_257 : vector<16xf32>
      %add3A_265 = arith.addf %add3A_248, %mul3A_264 : vector<16xf32>
      %get3A_266 = arith.index_cast %scan3A_164 : i32 to index
      %get3A_267 = arith.constant 96 : index
      %get3A_268 = tpu.vector_load %arg9[%get3A_266, %get3A_267] {strides = array<i32>} : memref<64x256xf32, #tpu.memory_space<vmem>>, vector<1x16xf32>,
      %get3A_269 = vector.shape_cast %get3A_268 : vector<1x16xf32> to vector<16xf32>
      %get3A_270 = arith.index_cast %scan3A_164 : i32 to index
      %get3A_271 = arith.constant 96 : index
      %get3A_272 = tpu.vector_load %arg11[%get3A_270, %get3A_271] {strides = array<i32>} : memref<64x256xf32, #tpu.memory_space<vmem>>, vector<1x16xf32>,
      %get3A_273 = vector.shape_cast %get3A_272 : vector<1x16xf32> to vector<16xf32>
      %sub3A_274 = arith.subf %get3A_269, %get3A_273 : vector<16xf32>
      %add3A_275 = arith.addf %get3A_273, %sub3A_274 : vector<16xf32>
      %swap3A_276 = arith.index_cast %scan3A_164 : i32 to index
      %swap3A_277 = arith.constant 96 : index
      %swap3A_278 = tpu.vector_load %arg9[%swap3A_276, %swap3A_277] {strides = array<i32>} : memref<64x256xf32, #tpu.memory_space<vmem>>, vector<1x16xf32>,
      %swap3A_279 = vector.shape_cast %swap3A_278 : vector<1x16xf32> to vector<16xf32>
      %swap3A_280 = vector.shape_cast %add3A_275 : vector<16xf32> to vector<1x16xf32>
      tpu.vector_store %arg9[%swap3A_276, %swap3A_277], %swap3A_280 {strides = array<i32>} : memref<64x256xf32, #tpu.memory_space<vmem>>, vector<1x16xf32>,
      %mul3A_281 = arith.mulf %sub3A_274, %sub3A_274 : vector<16xf32>
      %add3A_282 = arith.addf %add3A_265, %mul3A_281 : vector<16xf32>
      %get3A_283 = arith.index_cast %scan3A_164 : i32 to index
      %get3A_284 = arith.constant 112 : index
      %get3A_285 = tpu.vector_load %arg9[%get3A_283, %get3A_284] {strides = array<i32>} : memref<64x256xf32, #tpu.memory_space<vmem>>, vector<1x16xf32>,
      %get3A_286 = vector.shape_cast %get3A_285 : vector<1x16xf32> to vector<16xf32>
      %get3A_287 = arith.index_cast %scan3A_164 : i32 to index
      %get3A_288 = arith.constant 112 : index
      %get3A_289 = tpu.vector_load %arg11[%get3A_287, %get3A_288] {strides = array<i32>} : memref<64x256xf32, #tpu.memory_space<vmem>>, vector<1x16xf32>,
      %get3A_290 = vector.shape_cast %get3A_289 : vector<1x16xf32> to vector<16xf32>
      %sub3A_291 = arith.subf %get3A_286, %get3A_290 : vector<16xf32>
      %add3A_292 = arith.addf %get3A_290, %sub3A_291 : vector<16xf32>
      %swap3A_293 = arith.index_cast %scan3A_164 : i32 to index
      %swap3A_294 = arith.constant 112 : index
      %swap3A_295 = tpu.vector_load %arg9[%swap3A_293, %swap3A_294] {strides = array<i32>} : memref<64x256xf32, #tpu.memory_space<vmem>>, vector<1x16xf32>,
      %swap3A_296 = vector.shape_cast %swap3A_295 : vector<1x16xf32> to vector<16xf32>
      %swap3A_297 = vector.shape_cast %add3A_292 : vector<16xf32> to vector<1x16xf32>
      tpu.vector_store %arg9[%swap3A_293, %swap3A_294], %swap3A_297 {strides = array<i32>} : memref<64x256xf32, #tpu.memory_space<vmem>>, vector<1x16xf32>,
      %mul3A_298 = arith.mulf %sub3A_291, %sub3A_291 : vector<16xf32>
      %add3A_299 = arith.addf %add3A_282, %mul3A_298 : vector<16xf32>
      %get3A_300 = arith.index_cast %scan3A_164 : i32 to index
      %get3A_301 = arith.constant 128 : index
      %get3A_302 = tpu.vector_load %arg9[%get3A_300, %get3A_301] {strides = array<i32>} : memref<64x256xf32, #tpu.memory_space<vmem>>, vector<1x16xf32>,
      %get3A_303 = vector.shape_cast %get3A_302 : vector<1x16xf32> to vector<16xf32>
      %get3A_304 = arith.index_cast %scan3A_164 : i32 to index
      %get3A_305 = arith.constant 128 : index
      %get3A_306 = tpu.vector_load %arg11[%get3A_304, %get3A_305] {strides = array<i32>} : memref<64x256xf32, #tpu.memory_space<vmem>>, vector<1x16xf32>,
      %get3A_307 = vector.shape_cast %get3A_306 : vector<1x16xf32> to vector<16xf32>
      %sub3A_308 = arith.subf %get3A_303, %get3A_307 : vector<16xf32>
      %add3A_309 = arith.addf %get3A_307, %sub3A_308 : vector<16xf32>
      %swap3A_310 = arith.index_cast %scan3A_164 : i32 to index
      %swap3A_311 = arith.constant 128 : index
      %swap3A_312 = tpu.vector_load %arg9[%swap3A_310, %swap3A_311] {strides = array<i32>} : memref<64x256xf32, #tpu.memory_space<vmem>>, vector<1x16xf32>,
      %swap3A_313 = vector.shape_cast %swap3A_312 : vector<1x16xf32> to vector<16xf32>
      %swap3A_314 = vector.shape_cast %add3A_309 : vector<16xf32> to vector<1x16xf32>
      tpu.vector_store %arg9[%swap3A_310, %swap3A_311], %swap3A_314 {strides = array<i32>} : memref<64x256xf32, #tpu.memory_space<vmem>>, vector<1x16xf32>,
      %mul3A_315 = arith.mulf %sub3A_308, %sub3A_308 : vector<16xf32>
      %add3A_316 = arith.addf %add3A_299, %mul3A_315 : vector<16xf32>
      %get3A_317 = arith.index_cast %scan3A_164 : i32 to index
      %get3A_318 = arith.constant 144 : index
      %get3A_319 = tpu.vector_load %arg9[%get3A_317, %get3A_318] {strides = array<i32>} : memref<64x256xf32, #tpu.memory_space<vmem>>, vector<1x16xf32>,
      %get3A_320 = vector.shape_cast %get3A_319 : vector<1x16xf32> to vector<16xf32>
      %get3A_321 = arith.index_cast %scan3A_164 : i32 to index
      %get3A_322 = arith.constant 144 : index
      %get3A_323 = tpu.vector_load %arg11[%get3A_321, %get3A_322] {strides = array<i32>} : memref<64x256xf32, #tpu.memory_space<vmem>>, vector<1x16xf32>,
      %get3A_324 = vector.shape_cast %get3A_323 : vector<1x16xf32> to vector<16xf32>
      %sub3A_325 = arith.subf %get3A_320, %get3A_324 : vector<16xf32>
      %add3A_326 = arith.addf %get3A_324, %sub3A_325 : vector<16xf32>
      %swap3A_327 = arith.index_cast %scan3A_164 : i32 to index
      %swap3A_328 = arith.constant 144 : index
      %swap3A_329 = tpu.vector_load %arg9[%swap3A_327, %swap3A_328] {strides = array<i32>} : memref<64x256xf32, #tpu.memory_space<vmem>>, vector<1x16xf32>,
      %swap3A_330 = vector.shape_cast %swap3A_329 : vector<1x16xf32> to vector<16xf32>
      %swap3A_331 = vector.shape_cast %add3A_326 : vector<16xf32> to vector<1x16xf32>
      tpu.vector_store %arg9[%swap3A_327, %swap3A_328], %swap3A_331 {strides = array<i32>} : memref<64x256xf32, #tpu.memory_space<vmem>>, vector<1x16xf32>,
      %mul3A_332 = arith.mulf %sub3A_325, %sub3A_325 : vector<16xf32>
      %add3A_333 = arith.addf %add3A_316, %mul3A_332 : vector<16xf32>
      %get3A_334 = arith.index_cast %scan3A_164 : i32 to index
      %get3A_335 = arith.constant 160 : index
      %get3A_336 = tpu.vector_load %arg9[%get3A_334, %get3A_335] {strides = array<i32>} : memref<64x256xf32, #tpu.memory_space<vmem>>, vector<1x16xf32>,
      %get3A_337 = vector.shape_cast %get3A_336 : vector<1x16xf32> to vector<16xf32>
      %get3A_338 = arith.index_cast %scan3A_164 : i32 to index
      %get3A_339 = arith.constant 160 : index
      %get3A_340 = tpu.vector_load %arg11[%get3A_338, %get3A_339] {strides = array<i32>} : memref<64x256xf32, #tpu.memory_space<vmem>>, vector<1x16xf32>,
      %get3A_341 = vector.shape_cast %get3A_340 : vector<1x16xf32> to vector<16xf32>
      %sub3A_342 = arith.subf %get3A_337, %get3A_341 : vector<16xf32>
      %add3A_343 = arith.addf %get3A_341, %sub3A_342 : vector<16xf32>
      %swap3A_344 = arith.index_cast %scan3A_164 : i32 to index
      %swap3A_345 = arith.constant 160 : index
      %swap3A_346 = tpu.vector_load %arg9[%swap3A_344, %swap3A_345] {strides = array<i32>} : memref<64x256xf32, #tpu.memory_space<vmem>>, vector<1x16xf32>,
      %swap3A_347 = vector.shape_cast %swap3A_346 : vector<1x16xf32> to vector<16xf32>
      %swap3A_348 = vector.shape_cast %add3A_343 : vector<16xf32> to vector<1x16xf32>
      tpu.vector_store %arg9[%swap3A_344, %swap3A_345], %swap3A_348 {strides = array<i32>} : memref<64x256xf32, #tpu.memory_space<vmem>>, vector<1x16xf32>,
      %mul3A_349 = arith.mulf %sub3A_342, %sub3A_342 : vector<16xf32>
      %add3A_350 = arith.addf %add3A_333, %mul3A_349 : vector<16xf32>
      %get3A_351 = arith.index_cast %scan3A_164 : i32 to index
      %get3A_352 = arith.constant 176 : index
      %get3A_353 = tpu.vector_load %arg9[%get3A_351, %get3A_352] {strides = array<i32>} : memref<64x256xf32, #tpu.memory_space<vmem>>, vector<1x16xf32>,
      %get3A_354 = vector.shape_cast %get3A_353 : vector<1x16xf32> to vector<16xf32>
      %get3A_355 = arith.index_cast %scan3A_164 : i32 to index
      %get3A_356 = arith.constant 176 : index
      %get3A_357 = tpu.vector_load %arg11[%get3A_355, %get3A_356] {strides = array<i32>} : memref<64x256xf32, #tpu.memory_space<vmem>>, vector<1x16xf32>,
      %get3A_358 = vector.shape_cast %get3A_357 : vector<1x16xf32> to vector<16xf32>
      %sub3A_359 = arith.subf %get3A_354, %get3A_358 : vector<16xf32>
      %add3A_360 = arith.addf %get3A_358, %sub3A_359 : vector<16xf32>
      %swap3A_361 = arith.index_cast %scan3A_164 : i32 to index
      %swap3A_362 = arith.constant 176 : index
      %swap3A_363 = tpu.vector_load %arg9[%swap3A_361, %swap3A_362] {strides = array<i32>} : memref<64x256xf32, #tpu.memory_space<vmem>>, vector<1x16xf32>,
      %swap3A_364 = vector.shape_cast %swap3A_363 : vector<1x16xf32> to vector<16xf32>
      %swap3A_365 = vector.shape_cast %add3A_360 : vector<16xf32> to vector<1x16xf32>
      tpu.vector_store %arg9[%swap3A_361, %swap3A_362], %swap3A_365 {strides = array<i32>} : memref<64x256xf32, #tpu.memory_space<vmem>>, vector<1x16xf32>,
      %mul3A_366 = arith.mulf %sub3A_359, %sub3A_359 : vector<16xf32>
      %add3A_367 = arith.addf %add3A_350, %mul3A_366 : vector<16xf32>
      %get3A_368 = arith.index_cast %scan3A_164 : i32 to index
      %get3A_369 = arith.constant 192 : index
      %get3A_370 = tpu.vector_load %arg9[%get3A_368, %get3A_369] {strides = array<i32>} : memref<64x256xf32, #tpu.memory_space<vmem>>, vector<1x16xf32>,
      %get3A_371 = vector.shape_cast %get3A_370 : vector<1x16xf32> to vector<16xf32>
      %get3A_372 = arith.index_cast %scan3A_164 : i32 to index
      %get3A_373 = arith.constant 192 : index
      %get3A_374 = tpu.vector_load %arg11[%get3A_372, %get3A_373] {strides = array<i32>} : memref<64x256xf32, #tpu.memory_space<vmem>>, vector<1x16xf32>,
      %get3A_375 = vector.shape_cast %get3A_374 : vector<1x16xf32> to vector<16xf32>
      %sub3A_376 = arith.subf %get3A_371, %get3A_375 : vector<16xf32>
      %add3A_377 = arith.addf %get3A_375, %sub3A_376 : vector<16xf32>
      %swap3A_378 = arith.index_cast %scan3A_164 : i32 to index
      %swap3A_379 = arith.constant 192 : index
      %swap3A_380 = tpu.vector_load %arg9[%swap3A_378, %swap3A_379] {strides = array<i32>} : memref<64x256xf32, #tpu.memory_space<vmem>>, vector<1x16xf32>,
      %swap3A_381 = vector.shape_cast %swap3A_380 : vector<1x16xf32> to vector<16xf32>
      %swap3A_382 = vector.shape_cast %add3A_377 : vector<16xf32> to vector<1x16xf32>
      tpu.vector_store %arg9[%swap3A_378, %swap3A_379], %swap3A_382 {strides = array<i32>} : memref<64x256xf32, #tpu.memory_space<vmem>>, vector<1x16xf32>,
      %mul3A_383 = arith.mulf %sub3A_376, %sub3A_376 : vector<16xf32>
      %add3A_384 = arith.addf %add3A_367, %mul3A_383 : vector<16xf32>
      %get3A_385 = arith.index_cast %scan3A_164 : i32 to index
      %get3A_386 = arith.constant 208 : index
      %get3A_387 = tpu.vector_load %arg9[%get3A_385, %get3A_386] {strides = array<i32>} : memref<64x256xf32, #tpu.memory_space<vmem>>, vector<1x16xf32>,
      %get3A_388 = vector.shape_cast %get3A_387 : vector<1x16xf32> to vector<16xf32>
      %get3A_389 = arith.index_cast %scan3A_164 : i32 to index
      %get3A_390 = arith.constant 208 : index
      %get3A_391 = tpu.vector_load %arg11[%get3A_389, %get3A_390] {strides = array<i32>} : memref<64x256xf32, #tpu.memory_space<vmem>>, vector<1x16xf32>,
      %get3A_392 = vector.shape_cast %get3A_391 : vector<1x16xf32> to vector<16xf32>
      %sub3A_393 = arith.subf %get3A_388, %get3A_392 : vector<16xf32>
      %add3A_394 = arith.addf %get3A_392, %sub3A_393 : vector<16xf32>
      %swap3A_395 = arith.index_cast %scan3A_164 : i32 to index
      %swap3A_396 = arith.constant 208 : index
      %swap3A_397 = tpu.vector_load %arg9[%swap3A_395, %swap3A_396] {strides = array<i32>} : memref<64x256xf32, #tpu.memory_space<vmem>>, vector<1x16xf32>,
      %swap3A_398 = vector.shape_cast %swap3A_397 : vector<1x16xf32> to vector<16xf32>
      %swap3A_399 = vector.shape_cast %add3A_394 : vector<16xf32> to vector<1x16xf32>
      tpu.vector_store %arg9[%swap3A_395, %swap3A_396], %swap3A_399 {strides = array<i32>} : memref<64x256xf32, #tpu.memory_space<vmem>>, vector<1x16xf32>,
      %mul3A_400 = arith.mulf %sub3A_393, %sub3A_393 : vector<16xf32>
      %add3A_401 = arith.addf %add3A_384, %mul3A_400 : vector<16xf32>
      %get3A_402 = arith.index_cast %scan3A_164 : i32 to index
      %get3A_403 = arith.constant 224 : index
      %get3A_404 = tpu.vector_load %arg9[%get3A_402, %get3A_403] {strides = array<i32>} : memref<64x256xf32, #tpu.memory_space<vmem>>, vector<1x16xf32>,
      %get3A_405 = vector.shape_cast %get3A_404 : vector<1x16xf32> to vector<16xf32>
      %get3A_406 = arith.index_cast %scan3A_164 : i32 to index
      %get3A_407 = arith.constant 224 : index
      %get3A_408 = tpu.vector_load %arg11[%get3A_406, %get3A_407] {strides = array<i32>} : memref<64x256xf32, #tpu.memory_space<vmem>>, vector<1x16xf32>,
      %get3A_409 = vector.shape_cast %get3A_408 : vector<1x16xf32> to vector<16xf32>
      %sub3A_410 = arith.subf %get3A_405, %get3A_409 : vector<16xf32>
      %add3A_411 = arith.addf %get3A_409, %sub3A_410 : vector<16xf32>
      %swap3A_412 = arith.index_cast %scan3A_164 : i32 to index
      %swap3A_413 = arith.constant 224 : index
      %swap3A_414 = tpu.vector_load %arg9[%swap3A_412, %swap3A_413] {strides = array<i32>} : memref<64x256xf32, #tpu.memory_space<vmem>>, vector<1x16xf32>,
      %swap3A_415 = vector.shape_cast %swap3A_414 : vector<1x16xf32> to vector<16xf32>
      %swap3A_416 = vector.shape_cast %add3A_411 : vector<16xf32> to vector<1x16xf32>
      tpu.vector_store %arg9[%swap3A_412, %swap3A_413], %swap3A_416 {strides = array<i32>} : memref<64x256xf32, #tpu.memory_space<vmem>>, vector<1x16xf32>,
      %mul3A_417 = arith.mulf %sub3A_410, %sub3A_410 : vector<16xf32>
      %add3A_418 = arith.addf %add3A_401, %mul3A_417 : vector<16xf32>
      %get3A_419 = arith.index_cast %scan3A_164 : i32 to index
      %get3A_420 = arith.constant 240 : index
      %get3A_421 = tpu.vector_load %arg9[%get3A_419, %get3A_420] {strides = array<i32>} : memref<64x256xf32, #tpu.memory_space<vmem>>, vector<1x16xf32>,
      %get3A_422 = vector.shape_cast %get3A_421 : vector<1x16xf32> to vector<16xf32>
      %get3A_423 = arith.index_cast %scan3A_164 : i32 to index
      %get3A_424 = arith.constant 240 : index
      %get3A_425 = tpu.vector_load %arg11[%get3A_423, %get3A_424] {strides = array<i32>} : memref<64x256xf32, #tpu.memory_space<vmem>>, vector<1x16xf32>,
      %get3A_426 = vector.shape_cast %get3A_425 : vector<1x16xf32> to vector<16xf32>
      %sub3A_427 = arith.subf %get3A_422, %get3A_426 : vector<16xf32>
      %add3A_428 = arith.addf %get3A_426, %sub3A_427 : vector<16xf32>
      %swap3A_429 = arith.index_cast %scan3A_164 : i32 to index
      %swap3A_430 = arith.constant 240 : index
      %swap3A_431 = tpu.vector_load %arg9[%swap3A_429, %swap3A_430] {strides = array<i32>} : memref<64x256xf32, #tpu.memory_space<vmem>>, vector<1x16xf32>,
      %swap3A_432 = vector.shape_cast %swap3A_431 : vector<1x16xf32> to vector<16xf32>
      %swap3A_433 = vector.shape_cast %add3A_428 : vector<16xf32> to vector<1x16xf32>
      tpu.vector_store %arg9[%swap3A_429, %swap3A_430], %swap3A_433 {strides = array<i32>} : memref<64x256xf32, #tpu.memory_space<vmem>>, vector<1x16xf32>,
      %mul3A_434 = arith.mulf %sub3A_427, %sub3A_427 : vector<16xf32>
      %add3A_435 = arith.addf %add3A_418, %mul3A_434 : vector<16xf32>
      scf.yield %add3A_435 : vector<16xf32>
    }
    %scan3A_142 = arith.constant 64 : i32
    %add3A_143 = arith.constant 192 : i32
    %add3A_144 = arith.addi %mul3A_2, %add3A_143 : i32
    %dma_start3A_145 = arith.constant 0 : i32
    %dma_start3A_146 = tpu.memref_slice %arg5[%add3A_144, %dma_start3A_145] : memref<8192x256xf32, #tpu.memory_space<hbm>> -> memref<64x256xf32, #tpu.memory_space<hbm>>
    %dma_start3A_147 = arith.constant 0 : i32
    %dma_start3A_148 = tpu.memref_slice %arg5[%add3A_144, %dma_start3A_147] : memref<8192x256xf32, #tpu.memory_space<hbm>> -> memref<64x256xf32, #tpu.memory_space<hbm>>
    tpu.enqueue_dma source(%arg9 : memref<64x256xf32, #tpu.memory_space<vmem>>) target(%dma_start3A_148 : memref<64x256xf32, #tpu.memory_space<hbm>>) target_semaphore(%arg18 : memref<!tpu.dma_semaphore, #tpu.memory_space<semaphore_mem>>)
    %add3A_149 = arith.constant 128 : i32
    %add3A_150 = arith.addi %mul3A_2, %add3A_149 : i32
    %dma_wait3A_151 = arith.constant 0 : i32
    %dma_wait3A_152 = tpu.memref_slice %arg5[%add3A_150, %dma_wait3A_151] : memref<8192x256xf32, #tpu.memory_space<hbm>> -> memref<64x256xf32, #tpu.memory_space<hbm>>
    %dma_wait3A_153 = arith.constant 0 : i32
    %dma_wait3A_154 = tpu.memref_slice %arg5[%add3A_150, %dma_wait3A_153] : memref<8192x256xf32, #tpu.memory_space<hbm>> -> memref<64x256xf32, #tpu.memory_space<hbm>>
    tpu.wait_dma2 semaphore(%arg17 : memref<!tpu.dma_semaphore, #tpu.memory_space<semaphore_mem>>) src(%arg8 : memref<64x256xf32, #tpu.memory_space<vmem>>) dst(%dma_wait3A_154 : memref<64x256xf32, #tpu.memory_space<hbm>>)
    %add3A_155 = arith.constant 192 : i32
    %add3A_156 = arith.addi %mul3A_2, %add3A_155 : i32
    %dma_wait3A_157 = arith.constant 0 : i32
    %dma_wait3A_158 = tpu.memref_slice %arg5[%add3A_156, %dma_wait3A_157] : memref<8192x256xf32, #tpu.memory_space<hbm>> -> memref<64x256xf32, #tpu.memory_space<hbm>>
    %dma_wait3A_159 = arith.constant 0 : i32
    %dma_wait3A_160 = tpu.memref_slice %arg5[%add3A_156, %dma_wait3A_159] : memref<8192x256xf32, #tpu.memory_space<hbm>> -> memref<64x256xf32, #tpu.memory_space<hbm>>
    tpu.wait_dma2 semaphore(%arg18 : memref<!tpu.dma_semaphore, #tpu.memory_space<semaphore_mem>>) src(%arg9 : memref<64x256xf32, #tpu.memory_space<vmem>>) dst(%dma_wait3A_160 : memref<64x256xf32, #tpu.memory_space<hbm>>)
    %swap3A = arith.constant 0 : index
    %swap3A_161 = tpu.vector_load %arg12[%swap3A] {strides = array<i32>} : memref<16xf32, #tpu.memory_space<vmem>>, vector<16xf32>,
    %swap3A_162 = vector.shape_cast %swap3A_161 : vector<16xf32> to vector<16xf32>
    %swap3A_163 = vector.shape_cast %scan3A_141 : vector<16xf32> to vector<16xf32>
    tpu.vector_store %arg12[%swap3A], %swap3A_163 {strides = array<i32>} : memref<16xf32, #tpu.memory_space<vmem>>, vector<16xf32>,
    "tpu.region"() ({
      %run_scoped3A = tpu.sem_alloc : memref<!tpu.dma_semaphore, #tpu.memory_space<semaphore_mem>>
      %dma_start3A_164 = arith.constant 0 : i32
      %dma_start3A_165 = tpu.memref_slice %arg6[%add3A, %dma_start3A_164] : memref<32x16xf32, #tpu.memory_space<hbm>> -> memref<1x16xf32, #tpu.memory_space<hbm>>
      %dma_start3A_166 = tpu.memref_squeeze %dma_start3A_165 : memref<1x16xf32, #tpu.memory_space<hbm>> -> memref<16xf32, #tpu.memory_space<hbm>>
      %dma_start3A_167 = arith.constant 0 : i32
      %dma_start3A_168 = tpu.memref_slice %arg6[%add3A, %dma_start3A_167] : memref<32x16xf32, #tpu.memory_space<hbm>> -> memref<1x16xf32, #tpu.memory_space<hbm>>
      %dma_start3A_169 = tpu.memref_squeeze %dma_start3A_168 : memref<1x16xf32, #tpu.memory_space<hbm>> -> memref<16xf32, #tpu.memory_space<hbm>>
      tpu.enqueue_dma source(%arg12 : memref<16xf32, #tpu.memory_space<vmem>>) target(%dma_start3A_169 : memref<16xf32, #tpu.memory_space<hbm>>) target_semaphore(%run_scoped3A : memref<!tpu.dma_semaphore, #tpu.memory_space<semaphore_mem>>)
      %dma_wait3A_170 = arith.constant 0 : i32
      %dma_wait3A_171 = tpu.memref_slice %arg6[%add3A, %dma_wait3A_170] : memref<32x16xf32, #tpu.memory_space<hbm>> -> memref<1x16xf32, #tpu.memory_space<hbm>>
      %dma_wait3A_172 = tpu.memref_squeeze %dma_wait3A_171 : memref<1x16xf32, #tpu.memory_space<hbm>> -> memref<16xf32, #tpu.memory_space<hbm>>
      %dma_wait3A_173 = arith.constant 0 : i32
      %dma_wait3A_174 = tpu.memref_slice %arg6[%add3A, %dma_wait3A_173] : memref<32x16xf32, #tpu.memory_space<hbm>> -> memref<1x16xf32, #tpu.memory_space<hbm>>
      %dma_wait3A_175 = tpu.memref_squeeze %dma_wait3A_174 : memref<1x16xf32, #tpu.memory_space<hbm>> -> memref<16xf32, #tpu.memory_space<hbm>>
      tpu.wait_dma2 semaphore(%run_scoped3A : memref<!tpu.dma_semaphore, #tpu.memory_space<semaphore_mem>>) src(%arg12 : memref<16xf32, #tpu.memory_space<vmem>>) dst(%dma_wait3A_175 : memref<16xf32, #tpu.memory_space<hbm>>)
      tpu.yield
    }) : () -> ()
    return
  }
}

module attributes {stable_mosaic.version = 14 : i64} {
  func.func @_dist_argmin_body(%arg0: i32, %arg1: memref<256x256xf32, #tpu.memory_space<vmem>>, %arg2: memref<256x8192xf32, #tpu.memory_space<vmem>>, %arg3: memref<8192x1xf32, #tpu.memory_space<vmem>>, %arg4: memref<256xi32, #tpu.memory_space<vmem>>, %arg5: memref<256x256xf32, #tpu.memory_space<vmem>>, %arg6: memref<1x8192xf32, #tpu.memory_space<vmem>>) attributes {dimension_semantics = [#tpu.dimension_semantics<arbitrary>], iteration_bounds = array<i64: 32>, scalar_prefetch = 0 : i64, scratch_operands = 1 : i64, tpu.core_type = #tpu.core_type<tc>, window_params = [{transform_indices = @transform_0, window_bounds = array<i64: 256, 256>}, {pipeline_mode = #tpu.pipeline_mode<synchronous>, transform_indices = @transform_1, window_bounds = array<i64: 256, 8192>}, {pipeline_mode = #tpu.pipeline_mode<synchronous>, transform_indices = @transform_2, window_bounds = array<i64: 8192, 1>}, {transform_indices = @transform_3, window_bounds = array<i64: 256>}, {transform_indices = @transform_4, window_bounds = array<i64: 256, 256>}]} {
    %eq3A = arith.constant 0 : i32
    %eq3A_0 = arith.cmpi eq, %arg0, %eq3A : i32
    %convert_element_type3A = arith.extui %eq3A_0 : i1 to i32
    %cond3A = arith.constant 0 : i32
    %cond3A_1 = arith.cmpi ne, %convert_element_type3A, %cond3A : i32
    scf.if %cond3A_1 {
      %get3A_29 = arith.constant 0 : index
      %get3A_30 = arith.constant 0 : index
      %get3A_31 = vector.load %arg2[%get3A_29, %get3A_30] : memref<256x8192xf32, #tpu.memory_space<vmem>>, vector<256x8192xf32>
      %mul3A_32 = arith.mulf %get3A_31, %get3A_31 : vector<256x8192xf32>
      %reduce_sum3A = arith.constant dense<0.000000e+00> : vector<8192xf32>
      %reduce_sum3A_33 = vector.multi_reduction <add>, %mul3A_32, %reduce_sum3A [0] : vector<256x8192xf32> to vector<8192xf32>
      %broadcast_in_dim3A = vector.shape_cast %reduce_sum3A_33 : vector<8192xf32> to vector<1x8192xf32>
      %swap3A_34 = arith.constant 0 : index
      %swap3A_35 = arith.constant 0 : index
      %swap3A_36 = vector.load %arg6[%swap3A_34, %swap3A_35] : memref<1x8192xf32, #tpu.memory_space<vmem>>, vector<1x8192xf32>
      tpu.vector_store %arg6[%swap3A_34, %swap3A_35], %broadcast_in_dim3A {strides = array<i32>} : memref<1x8192xf32, #tpu.memory_space<vmem>>, vector<1x8192xf32>,
    } else {
    }
    %mul3A = arith.constant 256 : i32
    %mul3A_2 = arith.muli %arg0, %mul3A : i32
    %get3A = arith.constant 0 : index
    %get3A_3 = arith.index_cast %mul3A_2 : i32 to index
    %get3A_4 = vector.load %arg2[%get3A, %get3A_3] : memref<256x8192xf32, #tpu.memory_space<vmem>>, vector<256x256xf32>
    %transpose3A = tpu.transpose %get3A_4, [1, 0] : vector<256x256xf32> -> vector<256x256xf32>
    %swap3A = arith.constant 0 : index
    %swap3A_5 = arith.constant 0 : index
    %swap3A_6 = vector.load %arg5[%swap3A, %swap3A_5] : memref<256x256xf32, #tpu.memory_space<vmem>>, vector<256x256xf32>
    tpu.vector_store %arg5[%swap3A, %swap3A_5], %transpose3A {strides = array<i32>} : memref<256x256xf32, #tpu.memory_space<vmem>>, vector<256x256xf32>,
    %get3A_7 = arith.constant 0 : index
    %get3A_8 = arith.constant 0 : index
    %get3A_9 = vector.load %arg1[%get3A_7, %get3A_8] : memref<256x256xf32, #tpu.memory_space<vmem>>, vector<256x256xf32>
    %get3A_10 = arith.constant 0 : index
    %get3A_11 = arith.constant 0 : index
    %get3A_12 = vector.load %arg2[%get3A_10, %get3A_11] : memref<256x8192xf32, #tpu.memory_space<vmem>>, vector<256x8192xf32>
    %dot_general3A = arith.constant dense<0.000000e+00> : vector<256x8192xf32>
    %dot_general3A_13 = tpu.matmul %get3A_9, %get3A_12, %dot_general3A {dimension_numbers = #tpu.dot_dimension_numbers<[1], [0], [0], [1], [0, 0, 1, 1], [], []>, transpose_lhs_hint = false} : vector<256x256xf32>, vector<256x8192xf32>, vector<256x8192xf32> -> vector<256x8192xf32>
    %mul3A_14 = arith.constant 256 : i32
    %mul3A_15 = arith.muli %arg0, %mul3A_14 : i32
    %get3A_16 = arith.index_cast %mul3A_15 : i32 to index
    %get3A_17 = arith.constant 0 : index
    %get3A_18 = vector.load %arg3[%get3A_16, %get3A_17] : memref<8192x1xf32, #tpu.memory_space<vmem>>, vector<256x1xf32>
    %mul3A_19 = arith.constant 2.000000e+00 : f32
    %mul3A_20 = vector.broadcast %mul3A_19 : f32 to vector<256x8192xf32>
    %mul3A_21 = arith.mulf %mul3A_20, %dot_general3A_13 : vector<256x8192xf32>
    %sub3A = vector.broadcast %get3A_18 : vector<256x1xf32> to vector<256x8192xf32>
    %sub3A_22 = arith.subf %sub3A, %mul3A_21 : vector<256x8192xf32>
    %get3A_23 = arith.constant 0 : index
    %get3A_24 = arith.constant 0 : index
    %get3A_25 = vector.load %arg6[%get3A_23, %get3A_24] : memref<1x8192xf32, #tpu.memory_space<vmem>>, vector<1x8192xf32>
    %add3A = vector.broadcast %get3A_25 : vector<1x8192xf32> to vector<256x8192xf32>
    %add3A_26 = arith.addf %sub3A_22, %add3A : vector<256x8192xf32>
    %argmin3A = tpu.reduce_index %add3A_26 {axis = 1 : i32, kind = #tpu.reduction_kind<arg_min>} : vector<256x8192xf32> -> vector<256xi32>
    %swap3A_27 = arith.constant 0 : index
    %swap3A_28 = vector.load %arg4[%swap3A_27] : memref<256xi32, #tpu.memory_space<vmem>>, vector<256xi32>
    tpu.vector_store %arg4[%swap3A_27], %argmin3A {strides = array<i32>} : memref<256xi32, #tpu.memory_space<vmem>>, vector<256xi32>,
    return
  }
  func.func @transform_0(%arg0: i32) -> (i32, i32) {
    %c0_i32 = arith.constant 0 : i32
    %c0_i32_0 = arith.constant 0 : i32
    return %arg0, %c0_i32 : i32, i32
  }
  func.func @transform_1(%arg0: i32) -> (i32, i32) {
    %c0_i32 = arith.constant 0 : i32
    %c0_i32_0 = arith.constant 0 : i32
    %c0_i32_1 = arith.constant 0 : i32
    return %c0_i32, %c0_i32_0 : i32, i32
  }
  func.func @transform_2(%arg0: i32) -> (i32, i32) {
    %c0_i32 = arith.constant 0 : i32
    %c0_i32_0 = arith.constant 0 : i32
    %c0_i32_1 = arith.constant 0 : i32
    return %c0_i32, %c0_i32_0 : i32, i32
  }
  func.func @transform_3(%arg0: i32) -> i32 {
    %c0_i32 = arith.constant 0 : i32
    return %arg0 : i32
  }
  func.func @transform_4(%arg0: i32) -> (i32, i32) {
    %c0_i32 = arith.constant 0 : i32
    %c0_i32_0 = arith.constant 0 : i32
    return %arg0, %c0_i32 : i32, i32
  }
}

</mosaic_0001>

<sc_bundles>
// kernel: kernel.4.cloned.1.call-start
scs
__scs_entry_jumppad:
0x0: {  	(pc) =	sbr.rel $0x88, $3  }
0x1: {  	(tag) =	ssettag $0x0;
	lr =	simm.s32 $0x1  }
0x2: {  	[smem:$0x3F9F] =	sst lr;
	_ =	strace $0xD0000000  }
0x3: {  	_ = 	snop  }
0x4: {  	_ = 	snop  }
0x5: {  	_ = 	snop  }
0x6: {  	_ = 	snop  }
0x7: {  	_ = 	snop  }
__scs_overlays_trampoline_lowered:
0x8: {  	[smem:$0x3FAE] =	sst s0  }
0x9: {  	[smem:$0x3FAF] =	sst s1  }
0xa: {  	[smem:$0x3FB0] =	sst s2  }
0xb: {  	[smem:$0x3FB1] =	sst s3  }
0xc: {  	[smem:$0x3FB2] =	sst s4  }
0xd: {  	[smem:$0x3FB3] =	sst s5  }
0xe: {  	[smem:$0x3FB4] =	sst s6  }
0xf: {  	[smem:$0x3FB5] =	sst s7  }
0x10: {  	[smem:$0x3FB6] =	sst s8  }
0x11: {  	[smem:$0x3FB7] =	sst s9;
	s0 =	simm.s32 @!p0 $0x0  }
0x12: {  	s1 =	sld [smem:$0x3F9D];
	s0 =	simm.s32 @p0 $0x1  }
0x13: {  	[smem:$0x3FB8] =	sst s0;
	s0 =	simm.s32 @!p1 $0x0  }
0x14: {  	s2 =	sld [smem:$0x3F9C];
	s0 =	simm.s32 @p1 $0x1  }
0x15: {  	[smem:$0x3FB9] =	sst s0;
	s0 =	simm.s32 @!p2 $0x0  }
0x16: {  	s3 =	sld [smem:$0x3FDB];
	s0 =	simm.s32 @p2 $0x1  }
0x17: {  	s4 =	simm.s32 $0x1BF5;
	[smem:$0x3FBB] =	sst s0  }
0x18: {  	s0 =	sld [smem:$0x3F9E];
	_ =	swait.ge [sflag:s4], $0x0  }
0x19: {  	s7 =	sld [smem:$0x3F9F]  }
0x1a: {  	s8 =	sadd.s32 $0xFFFFE003, lr  }
0x1b: {  	s9 =	sadd.s32 $0xFFFFFEF7, lr;
	s5 =	simm.s32 $0xFFFFFFFF;
	p2 =	slt.u32 s8, $0xFFFFF086  }
0x1c: {  	p1 =	slt.u32 s9, $0xF7A;
	s5 =	simm.s32 @!p2 $0x0  }
0x1d: {  	s5 =	simm.s32 @p1 $0x1;
	p0 =	seq.s32 s7, s2  }
0x1e: {  	s7 =	smul.u32 @!p0 $0xF7A, s2;
	p2 =	seq.s32 @!p0 s5, $0x0  }
0x1f: {  	s9 =	smul.u32 $0xF7A, s1;
	s8 =	simm.s32 @!p0 $0x1BF5;
	p2 =	por !p2, p0  }
0x20: {  	[sflag:s8] =	ssyncset.s32 @!p0 $0xFFFFF086;
	s6 =	sadd.s32 @!p0 s3, s7;
	s7 =	simm.s32 @!p0 $0x108  }
0x21: {  	s3 =	sadd.s32 s3, s9;
	s6 =	sadd.s32 @!p0 $0x88, s6;
	s7 =	simm.s32 @p2 $0x1082  }
0x22: {  	[simem:s7], [sflag:s8] =	dma.local @!p0 [hbm:s6], $0xF7A  }
0x23: {  	s9 =	sor.u32 $0xD0000000, s2;
	s6 =	simm.s32 $0x108;
	_ =	swait.ge @!p0 [sflag:s8], $0x0  }
0x24: {  	s3 =	sadd.s32 $0x88, s3;
	s6 =	simm.s32 @!p1 $0x1082;
	[sflag:s4] =	ssyncset.s32 $0xFFFFF086  }
0x25: {  	[simem:s6], [sflag:s4] =	dma.local [hbm:s3], $0xF7A  }
0x26: {  	[smem:$0x3F9F] =	sst s1;
	(tag) =	ssettag s2;
	_ =	strace s9  }
0x27: {  	s1 =	sld [smem:$0x3FAF]  }
0x28: {  	s2 =	sld [smem:$0x3FB0]  }
0x29: {  	s4 =	sld [smem:$0x3FB2]  }
0x2a: {  	p0 =	seq.s32 s5, $0x0;
	s5 =	sld [smem:$0x3FB3]  }
0x2b: {  	s6 =	sld [smem:$0x3FB4]  }
0x2c: {  	s7 =	sld [smem:$0x3FB5]  }
0x2d: {  	s3 =	simm.s32 $0x108;
	s8 =	sld [smem:$0x3FB6]  }
0x2e: {  	s3 =	simm.s32 @!p0 $0x1082;
	s9 =	sld [smem:$0x3FB7]  }
0x2f: {  	lr =	sadd.s32 s0, s3;
	s0 =	sld [smem:$0x3FAE]  }
0x30: {  	s3 =	sld [smem:$0x3FB1]  }
0x31: {  	[smem:$0x3FBA] =	sst s10  }
0x32: {  	s10 =	sld [smem:$0x3FB8];
	_ =	sdelay $0x3  }
0x33: {  	p0 =	seq.s32 s10, $0x1;
	s10 =	sld [smem:$0x3FBA];
	_ =	sdelay $0x3  }
0x34: {  	[smem:$0x3FBA] =	sst s10  }
0x35: {  	s10 =	sld [smem:$0x3FB9];
	_ =	sdelay $0x3  }
0x36: {  	p1 =	seq.s32 s10, $0x1;
	s10 =	sld [smem:$0x3FBA];
	_ =	sdelay $0x3  }
0x37: {  	[smem:$0x3FBA] =	sst s10  }
0x38: {  	s10 =	sld [smem:$0x3FBB]  }
0x39: {  	_ = 	snop;
	(pc) =	sbr.ind lr, $3  }
0x3a: {  	_ = 	snop  }
0x3b: {  	_ = 	snop  }
0x3c: {  	p2 =	seq.s32 s10, $0x1;
	s10 =	sld [smem:$0x3FBA]  }
0x3d: {  	_ =	shalt  }
0x3e: {  	_ =	shalt  }
0x3f: {  	_ =	shalt  }
0x40: {  	_ =	shalt  }
0x41: {  	_ =	shalt  }
0x42: {  	_ =	shalt  }
0x43: {  	_ =	shalt  }
0x44: {  	_ =	shalt  }
0x45: {  	_ =	shalt  }
0x46: {  	_ =	shalt  }
0x47: {  	_ =	shalt  }
0x48: {  	_ =	shalt  }
0x49: {  	_ =	shalt  }
0x4a: {  	_ =	shalt  }
0x4b: {  	_ =	shalt  }
0x4c: {  	_ =	shalt  }
0x4d: {  	_ =	shalt  }
0x4e: {  	_ =	shalt  }
0x4f: {  	_ =	shalt  }
0x50: {  	_ =	shalt  }
0x51: {  	_ =	shalt  }
0x52: {  	_ =	shalt  }
0x53: {  	_ =	shalt  }
0x54: {  	_ =	shalt  }
0x55: {  	_ =	shalt  }
0x56: {  	_ =	shalt  }
0x57: {  	_ =	shalt  }
0x58: {  	_ =	shalt  }
0x59: {  	_ =	shalt  }
0x5a: {  	_ =	shalt  }
0x5b: {  	_ =	shalt  }
0x5c: {  	_ =	shalt  }
0x5d: {  	_ =	shalt  }
0x5e: {  	_ =	shalt  }
0x5f: {  	_ =	shalt  }
0x60: {  	_ =	shalt  }
0x61: {  	_ =	shalt  }
0x62: {  	_ =	shalt  }
0x63: {  	_ =	shalt  }
0x64: {  	_ =	shalt  }
0x65: {  	_ =	shalt  }
0x66: {  	_ =	shalt  }
0x67: {  	_ =	shalt  }
0x68: {  	_ =	shalt  }
0x69: {  	_ =	shalt  }
0x6a: {  	_ =	shalt  }
0x6b: {  	_ =	shalt  }
0x6c: {  	_ =	shalt  }
0x6d: {  	_ =	shalt  }
0x6e: {  	_ =	shalt  }
0x6f: {  	_ =	shalt  }
0x70: {  	_ =	shalt  }
0x71: {  	_ =	shalt  }
0x72: {  	_ =	shalt  }
0x73: {  	_ =	shalt  }
0x74: {  	_ =	shalt  }
0x75: {  	_ =	shalt  }
0x76: {  	_ =	shalt  }
0x77: {  	_ =	shalt  }
0x78: {  	_ =	shalt  }
0x79: {  	_ =	shalt  }
0x7a: {  	_ =	shalt  }
0x7b: {  	_ =	shalt  }
0x7c: {  	_ =	shalt  }
0x7d: {  	_ =	shalt  }
0x7e: {  	_ =	shalt  }
0x7f: {  	_ =	shalt  }
0x80: {  	_ =	shalt  }
0x81: {  	_ =	shalt  }
0x82: {  	_ =	shalt  }
0x83: {  	_ =	shalt  }
0x84: {  	_ =	shalt  }
0x85: {  	_ =	shalt  }
0x86: {  	_ =	shalt  }
0x87: {  	_ =	shalt  }
.Lfunc_end0:
.L_simem_size_0:
called_computation_lowered:
.L_overlay_start_0:
0x88: {  	s2 =	sld [smem:$0x3FD9]  }
0x89: {  	s3 =	sld [smem:$0x3FFE];
	_ =	sdelay $0x1  }
0x8a: {  	s1 =	srdreg.scid  }
0x8b: {  	s0 =	sand.u32 $0x1, s1  }
0x8c: {  	s14 =	sshll.u32 s0, $0xA;
	s2 =	sadd.s32 s3, s2  }
0x8d: {  	s2 =	sadd.s32 s2, s14  }
0x8e: {  	[smem:$0x3FC6] =	sst s2  }
0x8f: {  	_ = 	snop  }
0x90: {  	s2 =	sld [smem:$0x3FD0];
	_ =	sdelay $0x2  }
0x91: {  	s4 =	simm.s32 $0xA;
	s5 =	simm.s32 $0x10;
	s15 =	sld [smem:$0x3FC9]  }
0x92: {  	[smem:s5], [sflag:s4] =	dma.local [hbm:s2], $0x1  }
0x93: {  	_ =	swait.eq [sflag:s4], $0x1  }
0x94: {  	[sflag:s4] =	ssyncset.done $0x0  }
0x95: {  	[sflag:s4] =	ssyncadd.s32 $0xFFFFFFFF  }
0x96: {  	s16 =	sld [smem:$0x10];
	(tm) =	ssettm $0x1  }
0x97: {  	s17 =	sld [smem:$0x3FFB];
	_ =	sdelay $0x3  }
0x98: {  	_ =	strace s17  }
0x99: {  	s4 =	sld [smem:$0x3FFC];
	_ =	sdelay $0x3  }
0x9a: {  	_ =	strace s4  }
0x9b: {  	s4 =	sld [smem:$0x3FFD];
	_ =	sdelay $0x3  }
0x9c: {  	_ =	strace s4  }
0x9d: {  	_ =	strace $0x8FFFFFFF  }
0x9e: {  	s18 =	sld [smem:$0x3FDB];
	_ =	sdelay $0x1  }
0x9f: {  	s19 =	simm.s32 $_scs_section_size  }
0xa0: {  	s6 =	simm.s32 $_size__tile_overlayer_lowered;
	s7 =	simm.s32 $_tile_overlayer_lowered  }
0xa1: {  	s22 =	simm.s32 $0x1BFF;
	s21 =	sshll.u32 s7, $0x1;
	s4 =	sadd.s32 s19, s18  }
0xa2: {  	s8 =	simm.s32 $0x0;
	s20 =	sshll.u32 s6, $0x1;
	s6 =	sadd.s32 s21, s4  }
0xa3: {  	[timem:s8], [sflag:s22] =	dma.local [hbm:s6], s20  }
0xa4: {  	_ =	swait.ge [sflag:s22], s20  }
0xa5: {  	s5 =	ssub.s32 $0x0, s20;
	[sflag:s22] =	ssyncset.done $0x0  }
0xa6: {  	[sflag:s22] =	ssyncadd.s32 s5;
	_ =	sdelay $0x1  }
0xa7: {  	s23 =	simm.s32 $0x1B8B  }
0xa8: {  	_ =	swait.ge [sflag:s23], $0x1  }
0xa9: {  	[sflag:s23] =	ssyncset.done $0x0  }
0xaa: {  	s25 =	simm.s32 $0x1B8E;
	s24 =	sld [smem:$0x3FFE];
	[sflag:s23] =	ssyncadd.s32 $0xFFFFFFFF  }
0xab: {  	s26 =	simm.s32 $execute0_lowered;
	[smem:$0x3FD2] =	sst s25  }
0xac: {  	s6 =	sshll.u32 s26, $0x1;
	_ =	strace $0x80000046;
	[dreg:$0x1] =	wrdreg $0xFFFFFFFF  }
0xad: {  	s28 =	simm.s32 $_size_execute0_lowered;
	s4 =	sadd.s32 s4, s6;
	[dreg:$0x0] =	wrdreg $0x0  }
0xae: {  	s6 =	sshll.u32 s28, $0x1;
	[dreg:$0x2] =	wrdreg s4  }
0xaf: {  	[dreg:$0x3] =	wrdreg s6  }
0xb0: {  	[dreg:$0x4] =	wrdreg $0xC0  }
0xb1: {  	_ =	task [dreg:s8], $0x5FFFF  }
0xb2: {  	[dreg:$0x1] =	wrdreg $0xFFFFFFFF  }
0xb3: {  	[dreg:$0x0] =	wrdreg $0x60  }
0xb4: {  	[dreg:$0x2] =	wrdreg s24  }
0xb5: {  	[dreg:$0x3] =	wrdreg s15  }
0xb6: {  	[dreg:$0x4] =	wrdreg s16  }
0xb7: {  	[dreg:$0x5] =	wrdreg $0x9  }
0xb8: {  	_ =	task.clear_ibuf [dreg:s8], $0x6FFFF;
	_ =	strace $0x90000046  }
0xb9: {  	s29 =	simm.s32 $0x9;
	_ =	strace $0x80000048  }
0xba: {  	_ =	swait.ge [sflag:s29], $0x1  }
0xbb: {  	[sflag:s29] =	ssyncadd.s32 $0xFFFFFFFF  }
0xbc: {  	_ =	strace $0x90000048  }
0xbd: {  	_ =	sfence  }
0xbe: {  	s30 =	sld [smem:$0x0];
	_ =	sdelay $0x2  }
0xbf: {  	s31 =	sshll.u32 s1, $0xD;
	s1 =	sshrl.u32 s1, $0x2  }
0xc0: {  	s3 =	sand.u32 $0x4000, s31;
	s1 =	sadd.s32 s1, s30  }
0xc1: {  	s0 =	sor.u32 s3, s0;
	s1 =	sshll.u32 s1, $0x11  }
0xc2: {  	s0 =	sor.u32 s1, s0  }
0xc3: {  	s0 =	sadd.s32 $0x8F2B, s0  }
0xc4: {  	[sflag:s0] =	ssyncadd.remote.s32 $0x1  }
0xc5: {  	_ =	sfence.sel $0xFFFF  }
0xc6: {  	[dreg:$0x0] =	wrdreg $0xFFFFFFFF;
	(pc) =	sbr.abs _section_cstart, $3  }
0xc7: {  	[dreg:$0x1] =	wrdreg $0xFFFFFFFF  }
0xc8: {  	_ =	task.clear_ibuf [dreg:s8], $0x2FFFF;
	_ =	strace $0x9FFFFFFF  }
0xc9: {  	(tm) =	ssettm $0x7FFFFFFF  }
tec
execute0_lowered:
.L_overlay_start_1:
0x0: {  	(tag) =	ssettag $0x1  }
0x1: {  	s0 =	rddreg [dreg:$0x0]  }
0x2: {  	s1 =	rddreg [dreg:$0x1]  }
0x3: {  	s4 =	rddreg [dreg:$0x2]  }
0x4: {  	s3 =	srdreg.scid;
	s6 =	stileid.u32;
	s2 =	simm.s32 $0x0  }
0x5: {  	s15 =	simm.s32 $0x7;
	s16 =	simm.s32 $0x100;
	s29 =	simm.s32 $0x5900  }
0x6: {  	s30 =	simm.s32 $0x6100;
	s31 =	simm.s32 $0x6900;
	s17 =	simm.s32 $0xC100  }
0x7: {  	s18 =	simm.s32 $0x1;
	s19 =	simm.s32 $0x3;
	s20 =	simm.s32 $0x5  }
0x8: {  	s21 =	simm.s32 $0x2;
	s22 =	simm.s32 $0x4;
	s5 =	sand.u32 $0x1, s3  }
0x9: {  	s23 =	sshll.u32 s6, $0x1;
	[smem:$0x7FF] =	sst s2;
	s3 =	sadd.s32 $0x800, s0  }
0xa: {  	s6 =	sor.u32 s5, s23;
	_ =	strace $0x80000047;
	s5 =	ssub.s32 $0x2, s5  }
0xb: {  	s23 =	simm.s32 $0x0;
	s7 =	sshll.u32 s6, $0x5;
	s8 =	sshll.u32 s6, $0x4  }
0xc: {  	s24 =	sshrl.u32 s5, $0x1;
	s6 =	sshll.u32 s6, $0xD;
	s7 =	sadd.s32 s7, s0  }
0xd: {  	s0 =	sadd.s32 s8, s0;
	s5 =	ssub.s32 s5, s24;
	s9 =	sor.u32 $0x800, s6  }
0xe: {  	s25 =	sadd.s32 s1, s6;
	s11 =	sor.u32 $0x1000, s6;
	s28 =	sadd.s32 s4, s6  }
0xf: {  	s6 =	sor.u32 $0x1800, s6;
	s7 =	sadd.s32 $0x40800, s7;
	[dreg:$0x5] =	wrdreg s25  }
0x10: {  	s26 =	sadd.s32 s1, s9;
	[dreg:$0x7] =	wrdreg s28;
	s8 =	sadd.s32 s1, s11  }
0x11: {  	s9 =	sadd.s32 s4, s9;
	s10 =	sadd.s32 s1, s6;
	s11 =	sadd.s32 s4, s11  }
0x12: {  	v2 =	vlaneseq.u32;
	s12 =	sadd.s32 s4, s6;
	s13 =	sadd.s32 $0x40C00, s0;
	s14 =	smax.u32 s5, $0x1  }
0x13: {  	vm0 =	vmmov $0xffff;
	v1 =	vshrl.u32 v2, $0x3;
	s25 =	simm.s32 $0x4100;
	s0 =	simm.s32 $0x7100;
	[dreg:$0x4] =	wrdreg s7  }
0x14: {  	v0 =	vand.u32 $0x7, v2;
	v2 =	vor.u32 $0x8, v2;
	v1 =	vmul.u32 $0x8, v1;
	s1 =	simm.s32 $0x7900;
	s4 =	simm.s32 $0x6;
	[dreg:$0x6] =	wrdreg s26  }
.LBB2_1:
0x15: {  	s5 =	rddreg [dreg:$0x4]  }
0x16: {  	[tilespmem:s2], [sflag:$0x7] =	stream.linear.gather [hbm4b:s5+s2], $0x100, $0x38;
	[tilespmem:$0x10180] =	vst v63  }
0x17: {  	_ =	swait.ge [sflag:s15], $0x100  }
0x18: {  	[sflag:s15] =	ssyncset.done $0x0  }
0x19: {  	[sflag:s15] =	ssyncadd.s32 $0xFFFFFF00  }
0x1a: {  	v3 =	vld [tilespmem:$0x0];
	_ =	sdelay $0x4  }
0x1b: {  	v4 =	vshll.u32 v3, $0x1  }
0x1c: {  	v3 =	vand.u32 $0x7, v3;
	v4 =	vand.u32 $0xFFFFFFF0, v4  }
0x1d: {  	v3 =	vor.u32 v3, v4  }
0x1e: {  	v4 =	vperm.xlane v3, v0;
	_ =	sdelay $0x1  }
0x1f: {  	v3 =	vperm.xlane v3, v2;
	v4 =	vadd.s32 v1, v4;
	_ =	sdelay $0x1  }
0x20: {  	v3 =	vadd.s32 v1, v3;
	_ =	sdelay $0x2  }
0x21: {  	[tilespmem:s16], [sflag:$0x1] =	stream.indirect_vreg.gather [hbm4b:s3+s2], $0x80, v4, vm0, $0xb8;
	[tilespmem:$0x10180] =	vst v63  }
0x22: {  	s24 =	simm.s32 $0x900  }
0x23: {  	[tilespmem:s24], [sflag:$0x1] =	stream.indirect_vreg.gather [hbm4b:s3+s2], $0x80, v3, vm0, $0xb8;
	[tilespmem:$0x10180] =	vst v63  }
0x24: {  	v3 =	vld [tilespmem:$0x10];
	_ =	sdelay $0x4  }
0x25: {  	v4 =	vshll.u32 v3, $0x1  }
0x26: {  	v3 =	vand.u32 $0x7, v3;
	v4 =	vand.u32 $0xFFFFFFF0, v4  }
0x27: {  	v3 =	vor.u32 v3, v4  }
0x28: {  	v4 =	vperm.xlane v3, v0;
	_ =	sdelay $0x1  }
0x29: {  	v3 =	vperm.xlane v3, v2;
	v4 =	vadd.s32 v1, v4;
	_ =	sdelay $0x1  }
0x2a: {  	v3 =	vadd.s32 v1, v3;
	_ =	sdelay $0x1  }
0x2b: {  	s26 =	simm.s32 $0x1100  }
0x2c: {  	[tilespmem:s26], [sflag:$0x1] =	stream.indirect_vreg.gather [hbm4b:s3+s2], $0x80, v4, vm0, $0xb8;
	[tilespmem:$0x10180] =	vst v63  }
0x2d: {  	s28 =	simm.s32 $0x1900  }
0x2e: {  	[tilespmem:s28], [sflag:$0x1] =	stream.indirect_vreg.gather [hbm4b:s3+s2], $0x80, v3, vm0, $0xb8;
	[tilespmem:$0x10180] =	vst v63  }
0x2f: {  	v3 =	vld [tilespmem:$0x20];
	_ =	sdelay $0x4  }
0x30: {  	v4 =	vshll.u32 v3, $0x1  }
0x31: {  	v3 =	vand.u32 $0x7, v3;
	v4 =	vand.u32 $0xFFFFFFF0, v4  }
0x32: {  	v3 =	vor.u32 v3, v4  }
0x33: {  	v4 =	vperm.xlane v3, v0;
	_ =	sdelay $0x1  }
0x34: {  	v3 =	vperm.xlane v3, v2;
	v4 =	vadd.s32 v1, v4;
	_ =	sdelay $0x1  }
0x35: {  	v3 =	vadd.s32 v1, v3;
	_ =	sdelay $0x1  }
0x36: {  	s6 =	simm.s32 $0x2100  }
0x37: {  	[tilespmem:s6], [sflag:$0x1] =	stream.indirect_vreg.gather [hbm4b:s3+s2], $0x80, v4, vm0, $0xb8;
	[tilespmem:$0x10180] =	vst v63  }
0x38: {  	s7 =	simm.s32 $0x2900  }
0x39: {  	[tilespmem:s7], [sflag:$0x1] =	stream.indirect_vreg.gather [hbm4b:s3+s2], $0x80, v3, vm0, $0xb8;
	[tilespmem:$0x10180] =	vst v63  }
0x3a: {  	v3 =	vld [tilespmem:$0x30];
	_ =	sdelay $0x4  }
0x3b: {  	v4 =	vshll.u32 v3, $0x1  }
0x3c: {  	v3 =	vand.u32 $0x7, v3;
	v4 =	vand.u32 $0xFFFFFFF0, v4  }
0x3d: {  	v3 =	vor.u32 v3, v4  }
0x3e: {  	v4 =	vperm.xlane v3, v0;
	_ =	sdelay $0x1  }
0x3f: {  	v3 =	vperm.xlane v3, v2;
	v4 =	vadd.s32 v1, v4;
	_ =	sdelay $0x1  }
0x40: {  	v3 =	vadd.s32 v1, v3;
	_ =	sdelay $0x1  }
0x41: {  	s24 =	simm.s32 $0x3100  }
0x42: {  	[tilespmem:s24], [sflag:$0x1] =	stream.indirect_vreg.gather [hbm4b:s3+s2], $0x80, v4, vm0, $0xb8;
	[tilespmem:$0x10180] =	vst v63  }
0x43: {  	s26 =	simm.s32 $0x3900  }
0x44: {  	[tilespmem:s26], [sflag:$0x1] =	stream.indirect_vreg.gather [hbm4b:s3+s2], $0x80, v3, vm0, $0xb8;
	[tilespmem:$0x10180] =	vst v63  }
0x45: {  	s28 =	rddreg [dreg:$0x5];
	s6 =	simm.s32 $0x8100  }
0x46: {  	[tilespmem:s6], [sflag:$0x3] =	stream.linear.gather [hbm4b:s28+s2], $0x4000, $0x38;
	[tilespmem:$0x10180] =	vst v63  }
0x47: {  	v3 =	vld [tilespmem:$0x40];
	_ =	sdelay $0x4  }
0x48: {  	v4 =	vshll.u32 v3, $0x1  }
0x49: {  	v3 =	vand.u32 $0x7, v3;
	v4 =	vand.u32 $0xFFFFFFF0, v4  }
0x4a: {  	v3 =	vor.u32 v3, v4  }
0x4b: {  	v4 =	vperm.xlane v3, v0;
	_ =	sdelay $0x1  }
0x4c: {  	v3 =	vperm.xlane v3, v2;
	v4 =	vadd.s32 v1, v4;
	_ =	sdelay $0x1  }
0x4d: {  	v3 =	vadd.s32 v1, v3;
	_ =	sdelay $0x2  }
0x4e: {  	[tilespmem:s25], [sflag:$0x2] =	stream.indirect_vreg.gather [hbm4b:s3+s2], $0x80, v4, vm0, $0xb8;
	[tilespmem:$0x10180] =	vst v63  }
0x4f: {  	s6 =	simm.s32 $0x4900  }
0x50: {  	[tilespmem:s6], [sflag:$0x2] =	stream.indirect_vreg.gather [hbm4b:s3+s2], $0x80, v3, vm0, $0xb8;
	[tilespmem:$0x10180] =	vst v63  }
0x51: {  	v3 =	vld [tilespmem:$0x50];
	_ =	sdelay $0x4  }
0x52: {  	v4 =	vshll.u32 v3, $0x1  }
0x53: {  	v3 =	vand.u32 $0x7, v3;
	v4 =	vand.u32 $0xFFFFFFF0, v4  }
0x54: {  	v3 =	vor.u32 v3, v4  }
0x55: {  	v4 =	vperm.xlane v3, v0;
	_ =	sdelay $0x1  }
0x56: {  	v3 =	vperm.xlane v3, v2;
	v4 =	vadd.s32 v1, v4;
	_ =	sdelay $0x1  }
0x57: {  	v3 =	vadd.s32 v1, v3;
	_ =	sdelay $0x1  }
0x58: {  	s7 =	simm.s32 $0x5100  }
0x59: {  	[tilespmem:s7], [sflag:$0x2] =	stream.indirect_vreg.gather [hbm4b:s3+s2], $0x80, v4, vm0, $0xb8;
	[tilespmem:$0x10180] =	vst v63  }
0x5a: {  	_ = 	snop  }
0x5b: {  	[tilespmem:s29], [sflag:$0x2] =	stream.indirect_vreg.gather [hbm4b:s3+s2], $0x80, v3, vm0, $0xb8;
	[tilespmem:$0x10180] =	vst v63  }
0x5c: {  	v3 =	vld [tilespmem:$0x60];
	_ =	sdelay $0x4  }
0x5d: {  	v4 =	vshll.u32 v3, $0x1  }
0x5e: {  	v3 =	vand.u32 $0x7, v3;
	v4 =	vand.u32 $0xFFFFFFF0, v4  }
0x5f: {  	v3 =	vor.u32 v3, v4  }
0x60: {  	v4 =	vperm.xlane v3, v0;
	_ =	sdelay $0x1  }
0x61: {  	v3 =	vperm.xlane v3, v2;
	v4 =	vadd.s32 v1, v4;
	_ =	sdelay $0x1  }
0x62: {  	v3 =	vadd.s32 v1, v3;
	_ =	sdelay $0x2  }
0x63: {  	[tilespmem:s30], [sflag:$0x2] =	stream.indirect_vreg.gather [hbm4b:s3+s2], $0x80, v4, vm0, $0xb8;
	[tilespmem:$0x10180] =	vst v63  }
0x64: {  	_ = 	snop  }
0x65: {  	[tilespmem:s31], [sflag:$0x2] =	stream.indirect_vreg.gather [hbm4b:s3+s2], $0x80, v3, vm0, $0xb8;
	[tilespmem:$0x10180] =	vst v63  }
0x66: {  	v3 =	vld [tilespmem:$0x70];
	_ =	sdelay $0x4  }
0x67: {  	v4 =	vshll.u32 v3, $0x1  }
0x68: {  	v3 =	vand.u32 $0x7, v3;
	v4 =	vand.u32 $0xFFFFFFF0, v4  }
0x69: {  	v3 =	vor.u32 v3, v4  }
0x6a: {  	v4 =	vperm.xlane v3, v0;
	_ =	sdelay $0x1  }
0x6b: {  	v3 =	vperm.xlane v3, v2;
	v4 =	vadd.s32 v1, v4;
	_ =	sdelay $0x1  }
0x6c: {  	v3 =	vadd.s32 v1, v3;
	_ =	sdelay $0x2  }
0x6d: {  	[tilespmem:s0], [sflag:$0x2] =	stream.indirect_vreg.gather [hbm4b:s3+s2], $0x80, v4, vm0, $0xb8;
	[tilespmem:$0x10180] =	vst v63  }
0x6e: {  	_ = 	snop  }
0x6f: {  	[tilespmem:s1], [sflag:$0x2] =	stream.indirect_vreg.gather [hbm4b:s3+s2], $0x80, v3, vm0, $0xb8;
	[tilespmem:$0x10180] =	vst v63  }
0x70: {  	s24 =	rddreg [dreg:$0x6]  }
0x71: {  	[tilespmem:s17], [sflag:$0x4] =	stream.linear.gather [hbm4b:s24+s2], $0x4000, $0x38;
	[tilespmem:$0x10180] =	vst v63  }
0x72: {  	_ =	swait.ge [sflag:s18], $0x4000  }
0x73: {  	[sflag:s18] =	ssyncset.done $0x0  }
0x74: {  	[sflag:s18] =	ssyncadd.s32 $0xFFFFC000  }
0x75: {  	_ =	swait.ge [sflag:s19], $0x4000  }
0x76: {  	s26 =	sand.u32 $0x3800, s2;
	s28 =	sand.u32 $0x380, s2;
	[sflag:s19] =	ssyncset.done $0x0  }
0x77: {  	s24 =	sor.u32 s28, s26;
	[sflag:s19] =	ssyncadd.s32 $0xFFFFC000  }
0x78: {  	v3 =	vld [tilespmem:s24+$0x100]  }
0x79: {  	v4 =	vld [tilespmem:s24+$0x8100]  }
0x7a: {  	v5 =	vld [tilespmem:s24+$0x110]  }
0x7b: {  	v6 =	vld [tilespmem:s24+$0x8110]  }
0x7c: {  	v7 =	vld [tilespmem:s24+$0x120]  }
0x7d: {  	v8 =	vld [tilespmem:s24+$0x8120]  }
0x7e: {  	v9 =	vld [tilespmem:s24+$0x130];
	v3 =	vsub.f32 v3, v4  }
0x7f: {  	v10 =	vld [tilespmem:s24+$0x8130]  }
0x80: {  	v11 =	vld [tilespmem:s24+$0x140];
	v5 =	vsub.f32 v5, v6;
	v4 =	vadd.f32 v3, v4  }
0x81: {  	v12 =	vld [tilespmem:s24+$0x8140];
	v3 =	vmul.f32 v3, v3  }
0x82: {  	v13 =	vimm.f32 $0.0e+00;
	[tilespmem:s24+$0x100] =	vst v4;
	v4 =	vadd.f32 v5, v6;
	v6 =	vsub.f32 v7, v8;
	v7 =	vld [tilespmem:s24+$0x150]  }
0x83: {  	v5 =	vmul.f32 v5, v5;
	v3 =	vadd.f32 v3, v13;
	v13 =	vld [tilespmem:s24+$0x8150]  }
0x84: {  	[tilespmem:s24+$0x110] =	vst v4;
	v4 =	vadd.f32 v6, v8;
	v8 =	vsub.f32 v9, v10;
	v9 =	vld [tilespmem:s24+$0x160]  }
0x85: {  	v6 =	vmul.f32 v6, v6;
	v3 =	vadd.f32 v5, v3;
	v5 =	vld [tilespmem:s24+$0x8160]  }
0x86: {  	[tilespmem:s24+$0x120] =	vst v4;
	v4 =	vadd.f32 v8, v10;
	v10 =	vsub.f32 v11, v12;
	v11 =	vld [tilespmem:s24+$0x170]  }
0x87: {  	v8 =	vmul.f32 v8, v8;
	v3 =	vadd.f32 v6, v3;
	v6 =	vld [tilespmem:s24+$0x8170]  }
0x88: {  	[tilespmem:s24+$0x130] =	vst v4;
	v4 =	vadd.f32 v10, v12;
	v12 =	vld [tilespmem:s24+$0x500]  }
0x89: {  	v7 =	vsub.f32 v7, v13;
	v10 =	vmul.f32 v10, v10;
	v3 =	vadd.f32 v8, v3;
	v8 =	vld [tilespmem:s24+$0x8500]  }
0x8a: {  	v14 =	vld [tilespmem:s24+$0x8510];
	[tilespmem:s24+$0x140] =	vst v4;
	v4 =	vsub.f32 v9, v5  }
0x8b: {  	v13 =	vadd.f32 v7, v13;
	v7 =	vmul.f32 v7, v7;
	v9 =	vld [tilespmem:s24+$0x510];
	v3 =	vadd.f32 v10, v3  }
0x8c: {  	v10 =	vsub.f32 v11, v6;
	v11 =	vld [tilespmem:s24+$0x520];
	v5 =	vadd.f32 v4, v5  }
0x8d: {  	v4 =	vmul.f32 v4, v4;
	v3 =	vadd.f32 v7, v3;
	v7 =	vld [tilespmem:s24+$0x8520]  }
0x8e: {  	[tilespmem:s24+$0x160] =	vst v5;
	v5 =	vadd.f32 v10, v6;
	v6 =	vsub.f32 v12, v8;
	v12 =	vld [tilespmem:s24+$0x530]  }
0x8f: {  	[tilespmem:s24+$0x150] =	vst v13;
	v13 =	vmul.f32 v10, v10;
	v3 =	vadd.f32 v4, v3;
	v4 =	vld [tilespmem:s24+$0x8530]  }
0x90: {  	v10 =	vld [tilespmem:s24+$0x540];
	v9 =	vsub.f32 v9, v14;
	[tilespmem:s24+$0x170] =	vst v5;
	v5 =	vadd.f32 v6, v8  }
0x91: {  	v6 =	vmul.f32 v6, v6;
	v3 =	vadd.f32 v13, v3;
	v8 =	vld [tilespmem:s24+$0x8540]  }
0x92: {  	v13 =	vld [tilespmem:s24+$0x560];
	[tilespmem:s24+$0x500] =	vst v5;
	v5 =	vadd.f32 v9, v14  }
0x93: {  	v15 =	vmul.f32 v9, v9;
	v14 =	vsub.f32 v11, v7;
	v11 =	vld [tilespmem:s24+$0x550];
	v16 =	vadd.f32 v6, v3  }
0x94: {  	v9 =	vld [tilespmem:s24+$0x8550];
	v3 =	vsub.f32 v12, v4  }
0x95: {  	s5 =	simm.s32 $0x80;
	s6 =	simm.s32 $0x100;
	v12 =	vld [tilespmem:s24+$0x8560];
	[tilespmem:s24+$0x510] =	vst v5;
	v5 =	vadd.f32 v14, v7;
	v6 =	vmul.f32 v14, v14;
	v7 =	vadd.f32 v15, v16  }
.LBB2_2:
0x96: {  	s28 =	smov.u32 s6  }
0x97: {  	s26 =	sand.u32 $0x3800, s6;
	s7 =	sand.u32 $0x380, s5;
	v14 =	vmul.f32 v3, v3;
	v10 =	vsub.f32 v10, v8;
	v15 =	vld [tilespmem:s24+$0x570];
	s28 =	sadd.s32 $0x100, s6  }
0x98: {  	p0 =	sne.s32 s6, $0x3F00;
	s26 =	sor.u32 s7, s26;
	v6 =	vadd.f32 v6, v7;
	v7 =	vld [tilespmem:s24+$0x8570]  }
0x99: {  	v8 =	vadd.f32 v10, v8;
	v10 =	vmul.f32 v10, v10;
	v11 =	vsub.f32 v11, v9;
	v16 =	vld [tilespmem:s26+$0x100]  }
0x9a: {  	v6 =	vadd.f32 v14, v6;
	v17 =	vld [tilespmem:s26+$0x8100]  }
0x9b: {  	v14 =	vld [tilespmem:s26+$0x110];
	[tilespmem:s24+$0x540] =	vst v8;
	v8 =	vadd.f32 v11, v9;
	v9 =	vmul.f32 v11, v11;
	v11 =	vsub.f32 v13, v12  }
0x9c: {  	v6 =	vadd.f32 v10, v6;
	v13 =	vld [tilespmem:s26+$0x8110]  }
0x9d: {  	v10 =	vld [tilespmem:s26+$0x120];
	[tilespmem:s24+$0x550] =	vst v8;
	v8 =	vadd.f32 v11, v12;
	v11 =	vmul.f32 v11, v11;
	v12 =	vsub.f32 v15, v7  }
0x9e: {  	v6 =	vadd.f32 v9, v6;
	v15 =	vld [tilespmem:s26+$0x8120]  }
0x9f: {  	v9 =	vsub.f32 v16, v17;
	v16 =	vld [tilespmem:s26+$0x130];
	[tilespmem:s24+$0x560] =	vst v8;
	v7 =	vadd.f32 v12, v7;
	v8 =	vmul.f32 v12, v12  }
0xa0: {  	v6 =	vadd.f32 v11, v6;
	v12 =	vld [tilespmem:s26+$0x8130]  }
0xa1: {  	v11 =	vadd.f32 v9, v17;
	v9 =	vmul.f32 v9, v9;
	v14 =	vsub.f32 v14, v13;
	v17 =	vld [tilespmem:s26+$0x140];
	[tilespmem:s24+$0x570] =	vst v7  }
0xa2: {  	v6 =	vadd.f32 v8, v6;
	v7 =	vld [tilespmem:s26+$0x8140]  }
0xa3: {  	[tilespmem:s26+$0x100] =	vst v11;
	v8 =	vadd.f32 v14, v13;
	v11 =	vmul.f32 v14, v14;
	v10 =	vsub.f32 v10, v15;
	v13 =	vld [tilespmem:s26+$0x150]  }
0xa4: {  	v6 =	vadd.f32 v9, v6;
	v9 =	vld [tilespmem:s26+$0x8150]  }
0xa5: {  	[tilespmem:s26+$0x110] =	vst v8;
	v8 =	vadd.f32 v10, v15;
	v10 =	vmul.f32 v10, v10;
	v14 =	vsub.f32 v16, v12;
	v15 =	vld [tilespmem:s26+$0x160]  }
0xa6: {  	v6 =	vadd.f32 v11, v6;
	v11 =	vld [tilespmem:s26+$0x8160]  }
0xa7: {  	[tilespmem:s26+$0x120] =	vst v8;
	v8 =	vadd.f32 v14, v12;
	v12 =	vmul.f32 v14, v14;
	v14 =	vsub.f32 v17, v7;
	v16 =	vld [tilespmem:s26+$0x170]  }
0xa8: {  	v6 =	vadd.f32 v10, v6;
	v10 =	vld [tilespmem:s26+$0x8170]  }
0xa9: {  	[tilespmem:s26+$0x130] =	vst v8;
	v7 =	vadd.f32 v14, v7;
	v8 =	vmul.f32 v14, v14;
	v14 =	vld [tilespmem:s26+$0x500]  }
0xaa: {  	v6 =	vadd.f32 v12, v6;
	v12 =	vsub.f32 v13, v9;
	v13 =	vld [tilespmem:s26+$0x8500]  }
0xab: {  	v3 =	vadd.f32 v3, v4;
	[tilespmem:s26+$0x140] =	vst v7;
	v7 =	vsub.f32 v15, v11;
	v15 =	vld [tilespmem:s26+$0x510]  }
0xac: {  	v4 =	vadd.f32 v8, v6;
	v6 =	vadd.f32 v12, v9;
	v8 =	vmul.f32 v12, v12;
	v9 =	vld [tilespmem:s26+$0x8510];
	[tilespmem:s24+$0x520] =	vst v5  }
0xad: {  	v5 =	vadd.f32 v7, v11;
	v7 =	vmul.f32 v7, v7;
	v11 =	vsub.f32 v16, v10;
	v12 =	vld [tilespmem:s26+$0x520];
	[tilespmem:s24+$0x530] =	vst v3;
	s24 =	smov.u32 s26  }
0xae: {  	v3 =	vadd.f32 v8, v4;
	[tilespmem:s24+$0x150] =	vst v6;
	v6 =	vld [tilespmem:s24+$0x8520]  }
0xaf: {  	[tilespmem:s24+$0x160] =	vst v5;
	v5 =	vadd.f32 v11, v10;
	v8 =	vmul.f32 v11, v11;
	v10 =	vsub.f32 v14, v13;
	v14 =	vld [tilespmem:s24+$0x530]  }
0xb0: {  	v3 =	vadd.f32 v7, v3;
	v4 =	vld [tilespmem:s24+$0x8530]  }
0xb1: {  	[tilespmem:s24+$0x170] =	vst v5;
	v5 =	vadd.f32 v10, v13;
	v7 =	vmul.f32 v10, v10;
	v11 =	vsub.f32 v15, v9;
	v10 =	vld [tilespmem:s24+$0x540]  }
.Ltmp0:
0xb2: {  	v3 =	vadd.f32 v8, v3;
	v8 =	vld [tilespmem:s24+$0x8540];
	(pc) =	sbr.rel @p0 .LBB2_2-.Ltmp0, $4  }
0xb3: {  	[tilespmem:s24+$0x500] =	vst v5;
	v5 =	vadd.f32 v11, v9;
	v15 =	vmul.f32 v11, v11;
	v12 =	vsub.f32 v12, v6;
	v11 =	vld [tilespmem:s24+$0x550]  }
0xb4: {  	v7 =	vadd.f32 v7, v3;
	v9 =	vld [tilespmem:s24+$0x8550]  }
0xb5: {  	[tilespmem:s24+$0x510] =	vst v5;
	v5 =	vadd.f32 v12, v6;
	v6 =	vmul.f32 v12, v12;
	v3 =	vsub.f32 v14, v4;
	v13 =	vld [tilespmem:s24+$0x560]  }
0xb6: {  	s5 =	sadd.s32 $0x80, s5;
	s6 =	smov.u32 s28;
	v7 =	vadd.f32 v15, v7;
	v12 =	vld [tilespmem:s24+$0x8560]  }
0xb7: {  	v14 =	vld [tilespmem:s24+$0x570]  }
0xb8: {  	v15 =	vld [tilespmem:s24+$0x8570];
	_ =	sdelay $0x1  }
0xb9: {  	v10 =	vsub.f32 v10, v8  }
0xba: {  	v4 =	vadd.f32 v3, v4;
	v11 =	vsub.f32 v11, v9  }
0xbb: {  	[tilespmem:s24+$0x520] =	vst v5;
	v8 =	vadd.f32 v10, v8;
	v13 =	vsub.f32 v13, v12  }
0xbc: {  	[tilespmem:s24+$0x530] =	vst v4;
	v9 =	vadd.f32 v11, v9;
	v14 =	vsub.f32 v14, v15  }
0xbd: {  	[tilespmem:s24+$0x540] =	vst v8;
	v8 =	vadd.f32 v13, v12  }
0xbe: {  	[tilespmem:s24+$0x550] =	vst v9;
	v9 =	vadd.f32 v14, v15  }
0xbf: {  	[tilespmem:s24+$0x560] =	vst v8  }
0xc0: {  	s5 =	simm.s32 $0x0;
	s6 =	rddreg [dreg:$0x7];
	[tilespmem:s24+$0x570] =	vst v9  }
0xc1: {  	[hbm4b:s6+s5] =	stream.linear.scatter [tilespmem:s16], [sflag:$0x5], $0x4000, $0x38;
	[tilespmem:$0x10180] =	vst v63  }
0xc2: {  	_ =	swait.ge [sflag:s20], $0x4000  }
0xc3: {  	[sflag:s20] =	ssyncset.done $0x0  }
0xc4: {  	[sflag:s20] =	ssyncadd.s32 $0xFFFFC000  }
0xc5: {  	v4 =	vld [tilespmem:$0x80];
	_ =	sdelay $0x4  }
0xc6: {  	v5 =	vshll.u32 v4, $0x1  }
0xc7: {  	v4 =	vand.u32 $0x7, v4;
	v5 =	vand.u32 $0xFFFFFFF0, v5  }
0xc8: {  	v4 =	vor.u32 v4, v5  }
0xc9: {  	v5 =	vperm.xlane v4, v0;
	_ =	sdelay $0x1  }
0xca: {  	v4 =	vperm.xlane v4, v2;
	v5 =	vadd.s32 v1, v5;
	_ =	sdelay $0x1  }
0xcb: {  	v4 =	vadd.s32 v1, v4;
	_ =	sdelay $0x2  }
0xcc: {  	[tilespmem:s16], [sflag:$0x1] =	stream.indirect_vreg.gather [hbm4b:s3+s5], $0x80, v5, vm0, $0xb8;
	[tilespmem:$0x10180] =	vst v63  }
0xcd: {  	s7 =	simm.s32 $0x900  }
0xce: {  	[tilespmem:s7], [sflag:$0x1] =	stream.indirect_vreg.gather [hbm4b:s3+s5], $0x80, v4, vm0, $0xb8;
	[tilespmem:$0x10180] =	vst v63  }
0xcf: {  	v4 =	vld [tilespmem:$0x90];
	_ =	sdelay $0x4  }
0xd0: {  	v5 =	vshll.u32 v4, $0x1  }
0xd1: {  	v4 =	vand.u32 $0x7, v4;
	v5 =	vand.u32 $0xFFFFFFF0, v5  }
0xd2: {  	v4 =	vor.u32 v4, v5  }
0xd3: {  	v5 =	vperm.xlane v4, v0;
	_ =	sdelay $0x1  }
0xd4: {  	v4 =	vperm.xlane v4, v2;
	v5 =	vadd.s32 v1, v5;
	_ =	sdelay $0x1  }
0xd5: {  	v4 =	vadd.s32 v1, v4;
	_ =	sdelay $0x1  }
0xd6: {  	s24 =	simm.s32 $0x1100  }
0xd7: {  	[tilespmem:s24], [sflag:$0x1] =	stream.indirect_vreg.gather [hbm4b:s3+s5], $0x80, v5, vm0, $0xb8;
	[tilespmem:$0x10180] =	vst v63  }
0xd8: {  	s26 =	simm.s32 $0x1900  }
0xd9: {  	[tilespmem:s26], [sflag:$0x1] =	stream.indirect_vreg.gather [hbm4b:s3+s5], $0x80, v4, vm0, $0xb8;
	[tilespmem:$0x10180] =	vst v63  }
0xda: {  	v4 =	vld [tilespmem:$0xA0];
	_ =	sdelay $0x4  }
0xdb: {  	v5 =	vshll.u32 v4, $0x1  }
0xdc: {  	v4 =	vand.u32 $0x7, v4;
	v5 =	vand.u32 $0xFFFFFFF0, v5  }
0xdd: {  	v4 =	vor.u32 v4, v5  }
0xde: {  	v5 =	vperm.xlane v4, v0;
	_ =	sdelay $0x1  }
0xdf: {  	v4 =	vperm.xlane v4, v2;
	v5 =	vadd.s32 v1, v5;
	_ =	sdelay $0x1  }
0xe0: {  	v4 =	vadd.s32 v1, v4;
	_ =	sdelay $0x1  }
0xe1: {  	s7 =	simm.s32 $0x2100  }
0xe2: {  	[tilespmem:s7], [sflag:$0x1] =	stream.indirect_vreg.gather [hbm4b:s3+s5], $0x80, v5, vm0, $0xb8;
	[tilespmem:$0x10180] =	vst v63  }
0xe3: {  	s24 =	simm.s32 $0x2900  }
0xe4: {  	[tilespmem:s24], [sflag:$0x1] =	stream.indirect_vreg.gather [hbm4b:s3+s5], $0x80, v4, vm0, $0xb8;
	[tilespmem:$0x10180] =	vst v63  }
0xe5: {  	v4 =	vld [tilespmem:$0xB0];
	_ =	sdelay $0x4  }
0xe6: {  	v5 =	vshll.u32 v4, $0x1  }
0xe7: {  	v4 =	vand.u32 $0x7, v4;
	v5 =	vand.u32 $0xFFFFFFF0, v5  }
0xe8: {  	v4 =	vor.u32 v4, v5  }
0xe9: {  	v5 =	vperm.xlane v4, v0;
	_ =	sdelay $0x1  }
0xea: {  	v4 =	vperm.xlane v4, v2;
	v5 =	vadd.s32 v1, v5;
	_ =	sdelay $0x1  }
0xeb: {  	v4 =	vadd.s32 v1, v4;
	_ =	sdelay $0x1  }
0xec: {  	s26 =	simm.s32 $0x3100  }
0xed: {  	[tilespmem:s26], [sflag:$0x1] =	stream.indirect_vreg.gather [hbm4b:s3+s5], $0x80, v5, vm0, $0xb8;
	[tilespmem:$0x10180] =	vst v63  }
0xee: {  	s7 =	simm.s32 $0x3900  }
0xef: {  	[tilespmem:s7], [sflag:$0x1] =	stream.indirect_vreg.gather [hbm4b:s3+s5], $0x80, v4, vm0, $0xb8;
	[tilespmem:$0x10180] =	vst v63  }
0xf0: {  	s24 =	simm.s32 $0x8100  }
0xf1: {  	[tilespmem:s24], [sflag:$0x3] =	stream.linear.gather [hbm4b:s8+s5], $0x4000, $0x38;
	[tilespmem:$0x10180] =	vst v63  }
0xf2: {  	_ =	swait.ge [sflag:s21], $0x4000  }
0xf3: {  	[sflag:s21] =	ssyncset.done $0x0  }
0xf4: {  	[sflag:s21] =	ssyncadd.s32 $0xFFFFC000  }
0xf5: {  	_ =	swait.ge [sflag:s22], $0x4000  }
0xf6: {  	s26 =	sand.u32 $0x3800, s5;
	s5 =	sand.u32 $0x380, s5;
	[sflag:s22] =	ssyncset.done $0x0  }
0xf7: {  	v3 =	vmul.f32 v3, v3;
	v4 =	vadd.f32 v6, v7;
	s24 =	sor.u32 s5, s26;
	[sflag:s22] =	ssyncadd.s32 $0xFFFFC000  }
0xf8: {  	v5 =	vld [tilespmem:s24+$0x4100]  }
0xf9: {  	v6 =	vmul.f32 v10, v10;
	v3 =	vadd.f32 v3, v4;
	v4 =	vld [tilespmem:s24+$0xC100]  }
0xfa: {  	v7 =	vld [tilespmem:s24+$0x4110]  }
0xfb: {  	v8 =	vmul.f32 v11, v11;
	v3 =	vadd.f32 v6, v3;
	v6 =	vld [tilespmem:s24+$0xC110]  }
0xfc: {  	v9 =	vld [tilespmem:s24+$0x4120]  }
0xfd: {  	v10 =	vmul.f32 v13, v13;
	v3 =	vadd.f32 v8, v3;
	v8 =	vld [tilespmem:s24+$0xC120]  }
0xfe: {  	v11 =	vld [tilespmem:s24+$0x4130];
	v5 =	vsub.f32 v5, v4  }
0xff: {  	v12 =	vmul.f32 v14, v14;
	v3 =	vadd.f32 v10, v3;
	v10 =	vld [tilespmem:s24+$0xC130]  }
0x100: {  	v13 =	vld [tilespmem:s24+$0x4140];
	v7 =	vsub.f32 v7, v6;
	v4 =	vadd.f32 v5, v4  }
0x101: {  	v3 =	vadd.f32 v12, v3;
	v12 =	vld [tilespmem:s24+$0xC140];
	v5 =	vmul.f32 v5, v5  }
0x102: {  	[tilespmem:s24+$0x4100] =	vst v4;
	v4 =	vadd.f32 v7, v6;
	v6 =	vsub.f32 v9, v8;
	v9 =	vld [tilespmem:s24+$0x4150]  }
0x103: {  	v7 =	vmul.f32 v7, v7;
	v3 =	vadd.f32 v5, v3;
	v5 =	vld [tilespmem:s24+$0xC150]  }
0x104: {  	[tilespmem:s24+$0x4110] =	vst v4;
	v4 =	vadd.f32 v6, v8;
	v8 =	vsub.f32 v11, v10;
	v11 =	vld [tilespmem:s24+$0x4160]  }
0x105: {  	v6 =	vmul.f32 v6, v6;
	v3 =	vadd.f32 v7, v3;
	v7 =	vld [tilespmem:s24+$0xC160]  }
0x106: {  	[tilespmem:s24+$0x4120] =	vst v4;
	v4 =	vadd.f32 v8, v10;
	v10 =	vsub.f32 v13, v12;
	v13 =	vld [tilespmem:s24+$0x4170]  }
0x107: {  	v8 =	vmul.f32 v8, v8;
	v3 =	vadd.f32 v6, v3;
	v6 =	vld [tilespmem:s24+$0xC170]  }
0x108: {  	[tilespmem:s24+$0x4130] =	vst v4;
	v4 =	vadd.f32 v10, v12;
	v12 =	vld [tilespmem:s24+$0x4500]  }
0x109: {  	v9 =	vsub.f32 v9, v5;
	v10 =	vmul.f32 v10, v10;
	v3 =	vadd.f32 v8, v3;
	v8 =	vld [tilespmem:s24+$0xC500]  }
0x10a: {  	v14 =	vld [tilespmem:s24+$0xC510];
	[tilespmem:s24+$0x4140] =	vst v4;
	v4 =	vsub.f32 v11, v7  }
0x10b: {  	v5 =	vadd.f32 v9, v5;
	v9 =	vmul.f32 v9, v9;
	v11 =	vld [tilespmem:s24+$0x4510];
	v3 =	vadd.f32 v10, v3  }
0x10c: {  	v10 =	vsub.f32 v13, v6;
	v13 =	vld [tilespmem:s24+$0x4520];
	v7 =	vadd.f32 v4, v7  }
0x10d: {  	[tilespmem:s24+$0x4150] =	vst v5;
	v5 =	vld [tilespmem:s24+$0xC520];
	v4 =	vmul.f32 v4, v4;
	v3 =	vadd.f32 v9, v3  }
0x10e: {  	v6 =	vadd.f32 v10, v6;
	[tilespmem:s24+$0x4160] =	vst v7;
	v7 =	vsub.f32 v12, v8;
	v12 =	vld [tilespmem:s24+$0x4530]  }
0x10f: {  	v9 =	vmul.f32 v10, v10;
	v3 =	vadd.f32 v4, v3;
	v4 =	vld [tilespmem:s24+$0xC530]  }
0x110: {  	v10 =	vld [tilespmem:s24+$0x4540];
	[tilespmem:s24+$0x4170] =	vst v6;
	v15 =	vsub.f32 v11, v14;
	v6 =	vadd.f32 v7, v8  }
0x111: {  	v11 =	vld [tilespmem:s24+$0x4550];
	v7 =	vmul.f32 v7, v7;
	v3 =	vadd.f32 v9, v3  }
0x112: {  	v8 =	vld [tilespmem:s24+$0xC540];
	[tilespmem:s24+$0x4500] =	vst v6;
	v6 =	vadd.f32 v15, v14  }
0x113: {  	v9 =	vld [tilespmem:s24+$0xC550];
	v14 =	vsub.f32 v13, v5;
	v15 =	vmul.f32 v15, v15;
	v7 =	vadd.f32 v7, v3  }
0x114: {  	v13 =	vld [tilespmem:s24+$0x4560];
	v3 =	vsub.f32 v12, v4  }
0x115: {  	s28 =	simm.s32 $0x100;
	s5 =	simm.s32 $0x80;
	v12 =	vld [tilespmem:s24+$0xC560];
	[tilespmem:s24+$0x4510] =	vst v6;
	v5 =	vadd.f32 v14, v5;
	v6 =	vmul.f32 v14, v14;
	v7 =	vadd.f32 v15, v7  }
.LBB2_4:
0x116: {  	s6 =	smov.u32 s28  }
0x117: {  	s7 =	sand.u32 $0x3800, s28;
	s26 =	sand.u32 $0x380, s5;
	v14 =	vmul.f32 v3, v3;
	v10 =	vsub.f32 v10, v8;
	v15 =	vld [tilespmem:s24+$0x4570];
	s6 =	sadd.s32 $0x100, s28  }
0x118: {  	p0 =	sne.s32 s28, $0x3F00;
	s26 =	sor.u32 s26, s7;
	v6 =	vadd.f32 v6, v7;
	v7 =	vld [tilespmem:s24+$0xC570]  }
0x119: {  	v8 =	vadd.f32 v10, v8;
	v10 =	vmul.f32 v10, v10;
	v11 =	vsub.f32 v11, v9;
	v16 =	vld [tilespmem:s26+$0x4100]  }
0x11a: {  	v6 =	vadd.f32 v14, v6;
	v17 =	vld [tilespmem:s26+$0xC100]  }
0x11b: {  	v14 =	vld [tilespmem:s26+$0x4110];
	[tilespmem:s24+$0x4540] =	vst v8;
	v8 =	vadd.f32 v11, v9;
	v9 =	vmul.f32 v11, v11;
	v11 =	vsub.f32 v13, v12  }
0x11c: {  	v6 =	vadd.f32 v10, v6;
	v13 =	vld [tilespmem:s26+$0xC110]  }
0x11d: {  	v10 =	vld [tilespmem:s26+$0x4120];
	[tilespmem:s24+$0x4550] =	vst v8;
	v8 =	vadd.f32 v11, v12;
	v11 =	vmul.f32 v11, v11;
	v12 =	vsub.f32 v15, v7  }
0x11e: {  	v6 =	vadd.f32 v9, v6;
	v15 =	vld [tilespmem:s26+$0xC120]  }
0x11f: {  	v9 =	vsub.f32 v16, v17;
	v16 =	vld [tilespmem:s26+$0x4130];
	[tilespmem:s24+$0x4560] =	vst v8;
	v7 =	vadd.f32 v12, v7;
	v8 =	vmul.f32 v12, v12  }
0x120: {  	v6 =	vadd.f32 v11, v6;
	v12 =	vld [tilespmem:s26+$0xC130]  }
0x121: {  	v11 =	vadd.f32 v9, v17;
	v9 =	vmul.f32 v9, v9;
	v14 =	vsub.f32 v14, v13;
	v17 =	vld [tilespmem:s26+$0x4140];
	[tilespmem:s24+$0x4570] =	vst v7  }
0x122: {  	v6 =	vadd.f32 v8, v6;
	v7 =	vld [tilespmem:s26+$0xC140]  }
0x123: {  	[tilespmem:s26+$0x4100] =	vst v11;
	v8 =	vadd.f32 v14, v13;
	v11 =	vmul.f32 v14, v14;
	v10 =	vsub.f32 v10, v15;
	v13 =	vld [tilespmem:s26+$0x4150]  }
0x124: {  	v6 =	vadd.f32 v9, v6;
	v9 =	vld [tilespmem:s26+$0xC150]  }
0x125: {  	[tilespmem:s26+$0x4110] =	vst v8;
	v8 =	vadd.f32 v10, v15;
	v10 =	vmul.f32 v10, v10;
	v14 =	vsub.f32 v16, v12;
	v15 =	vld [tilespmem:s26+$0x4160]  }
0x126: {  	v6 =	vadd.f32 v11, v6;
	v11 =	vld [tilespmem:s26+$0xC160]  }
0x127: {  	[tilespmem:s26+$0x4120] =	vst v8;
	v8 =	vadd.f32 v14, v12;
	v12 =	vmul.f32 v14, v14;
	v14 =	vsub.f32 v17, v7;
	v16 =	vld [tilespmem:s26+$0x4170]  }
0x128: {  	v6 =	vadd.f32 v10, v6;
	v10 =	vld [tilespmem:s26+$0xC170]  }
0x129: {  	[tilespmem:s26+$0x4130] =	vst v8;
	v7 =	vadd.f32 v14, v7;
	v8 =	vmul.f32 v14, v14;
	v14 =	vld [tilespmem:s26+$0x4500]  }
0x12a: {  	v6 =	vadd.f32 v12, v6;
	v12 =	vsub.f32 v13, v9;
	v13 =	vld [tilespmem:s26+$0xC500]  }
0x12b: {  	v3 =	vadd.f32 v3, v4;
	[tilespmem:s26+$0x4140] =	vst v7;
	v7 =	vsub.f32 v15, v11;
	v15 =	vld [tilespmem:s26+$0x4510]  }
0x12c: {  	v4 =	vadd.f32 v8, v6;
	v6 =	vadd.f32 v12, v9;
	v8 =	vmul.f32 v12, v12;
	v9 =	vld [tilespmem:s26+$0xC510];
	[tilespmem:s24+$0x4520] =	vst v5  }
0x12d: {  	v5 =	vadd.f32 v7, v11;
	v7 =	vmul.f32 v7, v7;
	v11 =	vsub.f32 v16, v10;
	v12 =	vld [tilespmem:s26+$0x4520];
	[tilespmem:s24+$0x4530] =	vst v3;
	s24 =	smov.u32 s26  }
0x12e: {  	v3 =	vadd.f32 v8, v4;
	[tilespmem:s24+$0x4150] =	vst v6;
	v6 =	vld [tilespmem:s24+$0xC520]  }
0x12f: {  	[tilespmem:s24+$0x4160] =	vst v5;
	v5 =	vadd.f32 v11, v10;
	v8 =	vmul.f32 v11, v11;
	v10 =	vsub.f32 v14, v13;
	v14 =	vld [tilespmem:s24+$0x4530]  }
0x130: {  	v3 =	vadd.f32 v7, v3;
	v4 =	vld [tilespmem:s24+$0xC530]  }
0x131: {  	[tilespmem:s24+$0x4170] =	vst v5;
	v5 =	vadd.f32 v10, v13;
	v7 =	vmul.f32 v10, v10;
	v11 =	vsub.f32 v15, v9;
	v10 =	vld [tilespmem:s24+$0x4540]  }
.Ltmp1:
0x132: {  	v3 =	vadd.f32 v8, v3;
	v8 =	vld [tilespmem:s24+$0xC540];
	(pc) =	sbr.rel @p0 .LBB2_4-.Ltmp1, $4  }
0x133: {  	[tilespmem:s24+$0x4500] =	vst v5;
	v5 =	vadd.f32 v11, v9;
	v15 =	vmul.f32 v11, v11;
	v12 =	vsub.f32 v12, v6;
	v11 =	vld [tilespmem:s24+$0x4550]  }
0x134: {  	v7 =	vadd.f32 v7, v3;
	v9 =	vld [tilespmem:s24+$0xC550]  }
0x135: {  	[tilespmem:s24+$0x4510] =	vst v5;
	v5 =	vadd.f32 v12, v6;
	v6 =	vmul.f32 v12, v12;
	v3 =	vsub.f32 v14, v4;
	v13 =	vld [tilespmem:s24+$0x4560]  }
0x136: {  	s5 =	sadd.s32 $0x80, s5;
	s28 =	smov.u32 s6;
	v7 =	vadd.f32 v15, v7;
	v12 =	vld [tilespmem:s24+$0xC560]  }
0x137: {  	v14 =	vld [tilespmem:s24+$0x4570]  }
0x138: {  	v15 =	vld [tilespmem:s24+$0xC570];
	_ =	sdelay $0x1  }
0x139: {  	v10 =	vsub.f32 v10, v8  }
0x13a: {  	v4 =	vadd.f32 v3, v4;
	v11 =	vsub.f32 v11, v9  }
0x13b: {  	[tilespmem:s24+$0x4520] =	vst v5;
	v8 =	vadd.f32 v10, v8;
	v13 =	vsub.f32 v13, v12  }
0x13c: {  	[tilespmem:s24+$0x4530] =	vst v4;
	v9 =	vadd.f32 v11, v9;
	v14 =	vsub.f32 v14, v15  }
0x13d: {  	[tilespmem:s24+$0x4540] =	vst v8;
	v8 =	vadd.f32 v13, v12  }
0x13e: {  	[tilespmem:s24+$0x4550] =	vst v9;
	v9 =	vadd.f32 v14, v15  }
0x13f: {  	[tilespmem:s24+$0x4560] =	vst v8  }
0x140: {  	s5 =	simm.s32 $0x0;
	[tilespmem:s24+$0x4570] =	vst v9  }
0x141: {  	[hbm4b:s9+s5] =	stream.linear.scatter [tilespmem:s25], [sflag:$0x6], $0x4000, $0x38;
	[tilespmem:$0x10180] =	vst v63  }
0x142: {  	_ =	swait.ge [sflag:s4], $0x4000  }
0x143: {  	[sflag:s4] =	ssyncset.done $0x0  }
0x144: {  	[sflag:s4] =	ssyncadd.s32 $0xFFFFC000  }
0x145: {  	v4 =	vld [tilespmem:$0xC0];
	_ =	sdelay $0x4  }
0x146: {  	v5 =	vshll.u32 v4, $0x1  }
0x147: {  	v4 =	vand.u32 $0x7, v4;
	v5 =	vand.u32 $0xFFFFFFF0, v5  }
0x148: {  	v4 =	vor.u32 v4, v5  }
0x149: {  	v5 =	vperm.xlane v4, v0;
	_ =	sdelay $0x1  }
0x14a: {  	v4 =	vperm.xlane v4, v2;
	v5 =	vadd.s32 v1, v5;
	_ =	sdelay $0x1  }
0x14b: {  	v4 =	vadd.s32 v1, v4;
	_ =	sdelay $0x2  }
0x14c: {  	[tilespmem:s25], [sflag:$0x2] =	stream.indirect_vreg.gather [hbm4b:s3+s5], $0x80, v5, vm0, $0xb8;
	[tilespmem:$0x10180] =	vst v63  }
0x14d: {  	s6 =	simm.s32 $0x4900  }
0x14e: {  	[tilespmem:s6], [sflag:$0x2] =	stream.indirect_vreg.gather [hbm4b:s3+s5], $0x80, v4, vm0, $0xb8;
	[tilespmem:$0x10180] =	vst v63  }
0x14f: {  	v4 =	vld [tilespmem:$0xD0];
	_ =	sdelay $0x4  }
0x150: {  	v5 =	vshll.u32 v4, $0x1  }
0x151: {  	v4 =	vand.u32 $0x7, v4;
	v5 =	vand.u32 $0xFFFFFFF0, v5  }
0x152: {  	v4 =	vor.u32 v4, v5  }
0x153: {  	v5 =	vperm.xlane v4, v0;
	_ =	sdelay $0x1  }
0x154: {  	v4 =	vperm.xlane v4, v2;
	v5 =	vadd.s32 v1, v5;
	_ =	sdelay $0x1  }
0x155: {  	v4 =	vadd.s32 v1, v4;
	_ =	sdelay $0x1  }
0x156: {  	s24 =	simm.s32 $0x5100  }
0x157: {  	[tilespmem:s24], [sflag:$0x2] =	stream.indirect_vreg.gather [hbm4b:s3+s5], $0x80, v5, vm0, $0xb8;
	[tilespmem:$0x10180] =	vst v63  }
0x158: {  	_ = 	snop  }
0x159: {  	[tilespmem:s29], [sflag:$0x2] =	stream.indirect_vreg.gather [hbm4b:s3+s5], $0x80, v4, vm0, $0xb8;
	[tilespmem:$0x10180] =	vst v63  }
0x15a: {  	v4 =	vld [tilespmem:$0xE0];
	_ =	sdelay $0x4  }
0x15b: {  	v5 =	vshll.u32 v4, $0x1  }
0x15c: {  	v4 =	vand.u32 $0x7, v4;
	v5 =	vand.u32 $0xFFFFFFF0, v5  }
0x15d: {  	v4 =	vor.u32 v4, v5  }
0x15e: {  	v5 =	vperm.xlane v4, v0;
	_ =	sdelay $0x1  }
0x15f: {  	v4 =	vperm.xlane v4, v2;
	v5 =	vadd.s32 v1, v5;
	_ =	sdelay $0x1  }
0x160: {  	v4 =	vadd.s32 v1, v4;
	_ =	sdelay $0x2  }
0x161: {  	[tilespmem:s30], [sflag:$0x2] =	stream.indirect_vreg.gather [hbm4b:s3+s5], $0x80, v5, vm0, $0xb8;
	[tilespmem:$0x10180] =	vst v63  }
0x162: {  	_ = 	snop  }
0x163: {  	[tilespmem:s31], [sflag:$0x2] =	stream.indirect_vreg.gather [hbm4b:s3+s5], $0x80, v4, vm0, $0xb8;
	[tilespmem:$0x10180] =	vst v63  }
0x164: {  	v4 =	vld [tilespmem:$0xF0];
	_ =	sdelay $0x4  }
0x165: {  	v5 =	vshll.u32 v4, $0x1  }
0x166: {  	v4 =	vand.u32 $0x7, v4;
	v5 =	vand.u32 $0xFFFFFFF0, v5  }
0x167: {  	v4 =	vor.u32 v4, v5  }
0x168: {  	v5 =	vperm.xlane v4, v0;
	_ =	sdelay $0x1  }
0x169: {  	v4 =	vperm.xlane v4, v2;
	v5 =	vadd.s32 v1, v5;
	_ =	sdelay $0x1  }
0x16a: {  	v4 =	vadd.s32 v1, v4;
	_ =	sdelay $0x2  }
0x16b: {  	[tilespmem:s0], [sflag:$0x2] =	stream.indirect_vreg.gather [hbm4b:s3+s5], $0x80, v5, vm0, $0xb8;
	[tilespmem:$0x10180] =	vst v63  }
0x16c: {  	_ = 	snop  }
0x16d: {  	[tilespmem:s1], [sflag:$0x2] =	stream.indirect_vreg.gather [hbm4b:s3+s5], $0x80, v4, vm0, $0xb8;
	[tilespmem:$0x10180] =	vst v63  }
0x16e: {  	_ = 	snop  }
0x16f: {  	[tilespmem:s17], [sflag:$0x4] =	stream.linear.gather [hbm4b:s10+s5], $0x4000, $0x38;
	[tilespmem:$0x10180] =	vst v63  }
0x170: {  	_ =	swait.ge [sflag:s18], $0x4000  }
0x171: {  	[sflag:s18] =	ssyncset.done $0x0  }
0x172: {  	[sflag:s18] =	ssyncadd.s32 $0xFFFFC000  }
0x173: {  	_ =	swait.ge [sflag:s19], $0x4000  }
0x174: {  	s26 =	sand.u32 $0x3800, s5;
	s5 =	sand.u32 $0x380, s5;
	[sflag:s19] =	ssyncset.done $0x0  }
0x175: {  	v3 =	vmul.f32 v3, v3;
	v4 =	vadd.f32 v6, v7;
	s24 =	sor.u32 s5, s26;
	[sflag:s19] =	ssyncadd.s32 $0xFFFFC000  }
0x176: {  	v5 =	vld [tilespmem:s24+$0x100]  }
0x177: {  	v6 =	vmul.f32 v10, v10;
	v3 =	vadd.f32 v3, v4;
	v4 =	vld [tilespmem:s24+$0x8100]  }
0x178: {  	v7 =	vld [tilespmem:s24+$0x110]  }
0x179: {  	v8 =	vmul.f32 v11, v11;
	v3 =	vadd.f32 v6, v3;
	v6 =	vld [tilespmem:s24+$0x8110]  }
0x17a: {  	v9 =	vld [tilespmem:s24+$0x120]  }
0x17b: {  	v10 =	vmul.f32 v13, v13;
	v3 =	vadd.f32 v8, v3;
	v8 =	vld [tilespmem:s24+$0x8120]  }
0x17c: {  	v11 =	vld [tilespmem:s24+$0x130];
	v5 =	vsub.f32 v5, v4  }
0x17d: {  	v12 =	vmul.f32 v14, v14;
	v3 =	vadd.f32 v10, v3;
	v10 =	vld [tilespmem:s24+$0x8130]  }
0x17e: {  	v13 =	vld [tilespmem:s24+$0x140];
	v7 =	vsub.f32 v7, v6;
	v4 =	vadd.f32 v5, v4  }
0x17f: {  	v3 =	vadd.f32 v12, v3;
	v12 =	vld [tilespmem:s24+$0x8140];
	v5 =	vmul.f32 v5, v5  }
0x180: {  	[tilespmem:s24+$0x100] =	vst v4;
	v4 =	vadd.f32 v7, v6;
	v6 =	vsub.f32 v9, v8;
	v9 =	vld [tilespmem:s24+$0x150]  }
0x181: {  	v7 =	vmul.f32 v7, v7;
	v3 =	vadd.f32 v5, v3;
	v5 =	vld [tilespmem:s24+$0x8150]  }
0x182: {  	[tilespmem:s24+$0x110] =	vst v4;
	v4 =	vadd.f32 v6, v8;
	v8 =	vsub.f32 v11, v10;
	v11 =	vld [tilespmem:s24+$0x160]  }
0x183: {  	v6 =	vmul.f32 v6, v6;
	v3 =	vadd.f32 v7, v3;
	v7 =	vld [tilespmem:s24+$0x8160]  }
0x184: {  	[tilespmem:s24+$0x120] =	vst v4;
	v4 =	vadd.f32 v8, v10;
	v10 =	vsub.f32 v13, v12;
	v13 =	vld [tilespmem:s24+$0x170]  }
0x185: {  	v8 =	vmul.f32 v8, v8;
	v3 =	vadd.f32 v6, v3;
	v6 =	vld [tilespmem:s24+$0x8170]  }
0x186: {  	[tilespmem:s24+$0x130] =	vst v4;
	v4 =	vadd.f32 v10, v12;
	v12 =	vld [tilespmem:s24+$0x500]  }
0x187: {  	v9 =	vsub.f32 v9, v5;
	v10 =	vmul.f32 v10, v10;
	v3 =	vadd.f32 v8, v3;
	v8 =	vld [tilespmem:s24+$0x8500]  }
0x188: {  	[tilespmem:s24+$0x140] =	vst v4;
	v4 =	vsub.f32 v11, v7;
	v11 =	vld [tilespmem:s24+$0x510]  }
0x189: {  	v5 =	vadd.f32 v9, v5;
	v9 =	vmul.f32 v9, v9;
	v3 =	vadd.f32 v10, v3;
	v10 =	vld [tilespmem:s24+$0x8510]  }
0x18a: {  	v14 =	vld [tilespmem:s24+$0x520];
	v13 =	vsub.f32 v13, v6  }
0x18b: {  	[tilespmem:s24+$0x150] =	vst v5;
	v5 =	vld [tilespmem:s24+$0x8520];
	v7 =	vadd.f32 v4, v7;
	v4 =	vmul.f32 v4, v4;
	v3 =	vadd.f32 v9, v3  }
0x18c: {  	v9 =	vld [tilespmem:s24+$0x540];
	v6 =	vadd.f32 v13, v6  }
0x18d: {  	v13 =	vmul.f32 v13, v13;
	[tilespmem:s24+$0x160] =	vst v7;
	v7 =	vsub.f32 v12, v8;
	v12 =	vld [tilespmem:s24+$0x530];
	v4 =	vadd.f32 v4, v3  }
0x18e: {  	v3 =	vld [tilespmem:s24+$0x8530];
	v11 =	vsub.f32 v11, v10  }
0x18f: {  	[tilespmem:s24+$0x170] =	vst v6;
	v6 =	vld [tilespmem:s24+$0x8540];
	v8 =	vadd.f32 v7, v8;
	v7 =	vmul.f32 v7, v7;
	v4 =	vadd.f32 v13, v4  }
0x190: {  	v14 =	vsub.f32 v14, v5;
	v13 =	vld [tilespmem:s24+$0x560]  }
0x191: {  	[tilespmem:s24+$0x500] =	vst v8;
	v8 =	vadd.f32 v11, v10;
	v10 =	vld [tilespmem:s24+$0x550];
	v11 =	vmul.f32 v11, v11;
	v15 =	vadd.f32 v7, v4  }
0x192: {  	v7 =	vld [tilespmem:s24+$0x8550];
	v4 =	vadd.f32 v14, v5  }
0x193: {  	s28 =	simm.s32 $0x100;
	s5 =	simm.s32 $0x80;
	v5 =	vsub.f32 v12, v3;
	[tilespmem:s24+$0x510] =	vst v8;
	v8 =	vmul.f32 v14, v14;
	v12 =	vadd.f32 v11, v15;
	v11 =	vld [tilespmem:s24+$0x8560]  }
.LBB2_6:
0x194: {  	s6 =	smov.u32 s28  }
0x195: {  	s7 =	sand.u32 $0x3800, s28;
	s26 =	sand.u32 $0x380, s5;
	v14 =	vmul.f32 v5, v5;
	v9 =	vsub.f32 v9, v6;
	v15 =	vld [tilespmem:s24+$0x570];
	s6 =	sadd.s32 $0x100, s28  }
0x196: {  	p0 =	sne.s32 s28, $0x3F00;
	s26 =	sor.u32 s26, s7;
	v8 =	vadd.f32 v8, v12;
	v12 =	vld [tilespmem:s24+$0x8570]  }
0x197: {  	v6 =	vadd.f32 v9, v6;
	v9 =	vmul.f32 v9, v9;
	v10 =	vsub.f32 v10, v7;
	v16 =	vld [tilespmem:s26+$0x100]  }
0x198: {  	v8 =	vadd.f32 v14, v8;
	v17 =	vld [tilespmem:s26+$0x8100]  }
0x199: {  	v14 =	vld [tilespmem:s26+$0x110];
	[tilespmem:s24+$0x540] =	vst v6;
	v6 =	vadd.f32 v10, v7;
	v7 =	vmul.f32 v10, v10;
	v10 =	vsub.f32 v13, v11  }
0x19a: {  	v8 =	vadd.f32 v9, v8;
	v13 =	vld [tilespmem:s26+$0x8110]  }
0x19b: {  	v9 =	vld [tilespmem:s26+$0x120];
	[tilespmem:s24+$0x550] =	vst v6;
	v6 =	vadd.f32 v10, v11;
	v10 =	vmul.f32 v10, v10;
	v11 =	vsub.f32 v15, v12  }
0x19c: {  	v7 =	vadd.f32 v7, v8;
	v15 =	vld [tilespmem:s26+$0x8120]  }
0x19d: {  	v8 =	vsub.f32 v16, v17;
	v16 =	vld [tilespmem:s26+$0x130];
	[tilespmem:s24+$0x560] =	vst v6;
	v6 =	vadd.f32 v11, v12;
	v11 =	vmul.f32 v11, v11  }
0x19e: {  	v7 =	vadd.f32 v10, v7;
	v12 =	vld [tilespmem:s26+$0x8130]  }
0x19f: {  	v10 =	vadd.f32 v8, v17;
	v8 =	vmul.f32 v8, v8;
	v14 =	vsub.f32 v14, v13;
	v17 =	vld [tilespmem:s26+$0x140];
	[tilespmem:s24+$0x570] =	vst v6  }
0x1a0: {  	v7 =	vadd.f32 v11, v7;
	v6 =	vld [tilespmem:s26+$0x8140]  }
0x1a1: {  	[tilespmem:s26+$0x100] =	vst v10;
	v10 =	vadd.f32 v14, v13;
	v11 =	vmul.f32 v14, v14;
	v9 =	vsub.f32 v9, v15;
	v13 =	vld [tilespmem:s26+$0x150]  }
0x1a2: {  	v7 =	vadd.f32 v8, v7;
	v8 =	vld [tilespmem:s26+$0x8150]  }
0x1a3: {  	[tilespmem:s26+$0x110] =	vst v10;
	v10 =	vadd.f32 v9, v15;
	v9 =	vmul.f32 v9, v9;
	v14 =	vsub.f32 v16, v12;
	v15 =	vld [tilespmem:s26+$0x160]  }
0x1a4: {  	v7 =	vadd.f32 v11, v7;
	v11 =	vld [tilespmem:s26+$0x8160]  }
0x1a5: {  	[tilespmem:s26+$0x120] =	vst v10;
	v10 =	vadd.f32 v14, v12;
	v12 =	vmul.f32 v14, v14;
	v14 =	vsub.f32 v17, v6;
	v16 =	vld [tilespmem:s26+$0x170]  }
0x1a6: {  	v7 =	vadd.f32 v9, v7;
	v9 =	vld [tilespmem:s26+$0x8170]  }
0x1a7: {  	[tilespmem:s26+$0x130] =	vst v10;
	v6 =	vadd.f32 v14, v6;
	v10 =	vmul.f32 v14, v14;
	v14 =	vld [tilespmem:s26+$0x500]  }
0x1a8: {  	v7 =	vadd.f32 v12, v7;
	v12 =	vsub.f32 v13, v8;
	v13 =	vld [tilespmem:s26+$0x8500]  }
0x1a9: {  	v3 =	vadd.f32 v5, v3;
	[tilespmem:s26+$0x140] =	vst v6;
	v6 =	vsub.f32 v15, v11;
	v15 =	vld [tilespmem:s26+$0x510]  }
0x1aa: {  	v5 =	vadd.f32 v10, v7;
	v7 =	vadd.f32 v12, v8;
	v8 =	vmul.f32 v12, v12;
	v10 =	vld [tilespmem:s26+$0x8510];
	[tilespmem:s24+$0x520] =	vst v4  }
0x1ab: {  	v4 =	vadd.f32 v6, v11;
	v6 =	vmul.f32 v6, v6;
	v11 =	vsub.f32 v16, v9;
	v12 =	vld [tilespmem:s26+$0x520];
	[tilespmem:s24+$0x530] =	vst v3;
	s24 =	smov.u32 s26  }
0x1ac: {  	v3 =	vadd.f32 v8, v5;
	[tilespmem:s24+$0x150] =	vst v7;
	v5 =	vld [tilespmem:s24+$0x8520]  }
0x1ad: {  	[tilespmem:s24+$0x160] =	vst v4;
	v4 =	vadd.f32 v11, v9;
	v7 =	vmul.f32 v11, v11;
	v8 =	vsub.f32 v14, v13;
	v11 =	vld [tilespmem:s24+$0x530]  }
0x1ae: {  	v6 =	vadd.f32 v6, v3;
	v3 =	vld [tilespmem:s24+$0x8530]  }
0x1af: {  	[tilespmem:s24+$0x170] =	vst v4;
	v4 =	vadd.f32 v8, v13;
	v8 =	vmul.f32 v8, v8;
	v13 =	vsub.f32 v15, v10;
	v9 =	vld [tilespmem:s24+$0x540]  }
.Ltmp2:
0x1b0: {  	v7 =	vadd.f32 v7, v6;
	v6 =	vld [tilespmem:s24+$0x8540];
	(pc) =	sbr.rel @p0 .LBB2_6-.Ltmp2, $4  }
0x1b1: {  	[tilespmem:s24+$0x500] =	vst v4;
	v4 =	vadd.f32 v13, v10;
	v14 =	vmul.f32 v13, v13;
	v12 =	vsub.f32 v12, v5;
	v10 =	vld [tilespmem:s24+$0x550]  }
0x1b2: {  	v15 =	vadd.f32 v8, v7;
	v7 =	vld [tilespmem:s24+$0x8550]  }
0x1b3: {  	[tilespmem:s24+$0x510] =	vst v4;
	v4 =	vadd.f32 v12, v5;
	v8 =	vmul.f32 v12, v12;
	v5 =	vsub.f32 v11, v3;
	v13 =	vld [tilespmem:s24+$0x560]  }
0x1b4: {  	s5 =	sadd.s32 $0x80, s5;
	s28 =	smov.u32 s6;
	v12 =	vadd.f32 v14, v15;
	v11 =	vld [tilespmem:s24+$0x8560]  }
0x1b5: {  	v14 =	vld [tilespmem:s24+$0x570]  }
0x1b6: {  	v15 =	vld [tilespmem:s24+$0x8570];
	_ =	sdelay $0x1  }
0x1b7: {  	v9 =	vsub.f32 v9, v6  }
0x1b8: {  	v3 =	vadd.f32 v5, v3;
	v10 =	vsub.f32 v10, v7  }
0x1b9: {  	[tilespmem:s24+$0x520] =	vst v4;
	v6 =	vadd.f32 v9, v6;
	v13 =	vsub.f32 v13, v11  }
0x1ba: {  	[tilespmem:s24+$0x530] =	vst v3;
	v7 =	vadd.f32 v10, v7;
	v14 =	vsub.f32 v14, v15  }
0x1bb: {  	[tilespmem:s24+$0x540] =	vst v6;
	v6 =	vadd.f32 v13, v11  }
0x1bc: {  	[tilespmem:s24+$0x550] =	vst v7;
	v7 =	vadd.f32 v14, v15  }
0x1bd: {  	[tilespmem:s24+$0x560] =	vst v6  }
0x1be: {  	s5 =	simm.s32 $0x0;
	[tilespmem:s24+$0x570] =	vst v7  }
0x1bf: {  	[hbm4b:s11+s5] =	stream.linear.scatter [tilespmem:s16], [sflag:$0x5], $0x4000, $0x38;
	[tilespmem:$0x10180] =	vst v63  }
0x1c0: {  	_ =	swait.ge [sflag:s21], $0x4000  }
0x1c1: {  	[sflag:s21] =	ssyncset.done $0x0  }
0x1c2: {  	[sflag:s21] =	ssyncadd.s32 $0xFFFFC000  }
0x1c3: {  	_ =	swait.ge [sflag:s22], $0x4000  }
0x1c4: {  	s6 =	sand.u32 $0x3800, s5;
	s5 =	sand.u32 $0x380, s5;
	[sflag:s22] =	ssyncset.done $0x0  }
0x1c5: {  	v4 =	vadd.f32 v8, v12;
	v3 =	vmul.f32 v5, v5;
	s24 =	sor.u32 s5, s6;
	[sflag:s22] =	ssyncadd.s32 $0xFFFFC000  }
0x1c6: {  	v5 =	vld [tilespmem:s24+$0x4100]  }
0x1c7: {  	v3 =	vadd.f32 v3, v4;
	v6 =	vmul.f32 v9, v9;
	v4 =	vld [tilespmem:s24+$0xC100]  }
0x1c8: {  	v7 =	vld [tilespmem:s24+$0x4110]  }
0x1c9: {  	v8 =	vmul.f32 v10, v10;
	v3 =	vadd.f32 v6, v3;
	v6 =	vld [tilespmem:s24+$0xC110]  }
0x1ca: {  	v9 =	vld [tilespmem:s24+$0x4120]  }
0x1cb: {  	v10 =	vmul.f32 v13, v13;
	v3 =	vadd.f32 v8, v3;
	v8 =	vld [tilespmem:s24+$0xC120]  }
0x1cc: {  	v11 =	vld [tilespmem:s24+$0x4130];
	v5 =	vsub.f32 v5, v4  }
0x1cd: {  	v12 =	vmul.f32 v14, v14;
	v3 =	vadd.f32 v10, v3;
	v10 =	vld [tilespmem:s24+$0xC130]  }
0x1ce: {  	v13 =	vld [tilespmem:s24+$0x4140];
	v7 =	vsub.f32 v7, v6;
	v4 =	vadd.f32 v5, v4  }
0x1cf: {  	v3 =	vadd.f32 v12, v3;
	v12 =	vld [tilespmem:s24+$0xC140];
	v5 =	vmul.f32 v5, v5  }
0x1d0: {  	[tilespmem:s24+$0x4100] =	vst v4;
	v4 =	vadd.f32 v7, v6;
	v6 =	vsub.f32 v9, v8;
	v9 =	vld [tilespmem:s24+$0x4150]  }
0x1d1: {  	v7 =	vmul.f32 v7, v7;
	v3 =	vadd.f32 v5, v3;
	v5 =	vld [tilespmem:s24+$0xC150]  }
0x1d2: {  	[tilespmem:s24+$0x4110] =	vst v4;
	v4 =	vadd.f32 v6, v8;
	v8 =	vsub.f32 v11, v10;
	v11 =	vld [tilespmem:s24+$0x4160]  }
0x1d3: {  	v6 =	vmul.f32 v6, v6;
	v3 =	vadd.f32 v7, v3;
	v7 =	vld [tilespmem:s24+$0xC160]  }
0x1d4: {  	[tilespmem:s24+$0x4120] =	vst v4;
	v4 =	vadd.f32 v8, v10;
	v10 =	vsub.f32 v13, v12;
	v13 =	vld [tilespmem:s24+$0x4170]  }
0x1d5: {  	v8 =	vmul.f32 v8, v8;
	v3 =	vadd.f32 v6, v3;
	v6 =	vld [tilespmem:s24+$0xC170]  }
0x1d6: {  	[tilespmem:s24+$0x4130] =	vst v4;
	v4 =	vadd.f32 v10, v12;
	v12 =	vld [tilespmem:s24+$0x4500]  }
0x1d7: {  	v9 =	vsub.f32 v9, v5;
	v10 =	vmul.f32 v10, v10;
	v3 =	vadd.f32 v8, v3;
	v8 =	vld [tilespmem:s24+$0xC500]  }
0x1d8: {  	v14 =	vld [tilespmem:s24+$0x4520];
	[tilespmem:s24+$0x4140] =	vst v4;
	v4 =	vsub.f32 v11, v7  }
0x1d9: {  	v5 =	vadd.f32 v9, v5;
	v9 =	vmul.f32 v9, v9;
	v11 =	vld [tilespmem:s24+$0x4510];
	v3 =	vadd.f32 v10, v3  }
0x1da: {  	v10 =	vld [tilespmem:s24+$0xC510];
	v13 =	vsub.f32 v13, v6;
	v7 =	vadd.f32 v4, v7  }
0x1db: {  	[tilespmem:s24+$0x4150] =	vst v5;
	v5 =	vld [tilespmem:s24+$0xC520];
	v4 =	vmul.f32 v4, v4;
	v3 =	vadd.f32 v9, v3  }
0x1dc: {  	v15 =	vld [tilespmem:s24+$0x4530];
	v6 =	vadd.f32 v13, v6;
	[tilespmem:s24+$0x4160] =	vst v7;
	v7 =	vsub.f32 v12, v8  }
0x1dd: {  	v9 =	vmul.f32 v13, v13;
	v4 =	vadd.f32 v4, v3;
	v3 =	vld [tilespmem:s24+$0xC530]  }
0x1de: {  	[tilespmem:s24+$0x4170] =	vst v6;
	v6 =	vld [tilespmem:s24+$0xC540];
	v12 =	vadd.f32 v7, v8  }
0x1df: {  	v11 =	vsub.f32 v11, v10;
	v8 =	vld [tilespmem:s24+$0x4540];
	v7 =	vmul.f32 v7, v7;
	v4 =	vadd.f32 v9, v4  }
0x1e0: {  	v9 =	vld [tilespmem:s24+$0x4550];
	[tilespmem:s24+$0x4500] =	vst v12;
	v12 =	vsub.f32 v14, v5  }
0x1e1: {  	v10 =	vadd.f32 v11, v10;
	v13 =	vmul.f32 v11, v11;
	v11 =	vld [tilespmem:s24+$0x4560];
	v14 =	vadd.f32 v7, v4  }
0x1e2: {  	v7 =	vld [tilespmem:s24+$0xC550];
	v4 =	vadd.f32 v12, v5  }
0x1e3: {  	s28 =	simm.s32 $0x100;
	s5 =	simm.s32 $0x80;
	[tilespmem:s24+$0x4510] =	vst v10;
	v10 =	vld [tilespmem:s24+$0xC560];
	v12 =	vmul.f32 v12, v12;
	v5 =	vsub.f32 v15, v3;
	v13 =	vadd.f32 v13, v14  }
.LBB2_8:
0x1e4: {  	s6 =	smov.u32 s28  }
0x1e5: {  	s7 =	sand.u32 $0x3800, s28;
	s26 =	sand.u32 $0x380, s5;
	v14 =	vmul.f32 v5, v5;
	v8 =	vsub.f32 v8, v6;
	v15 =	vld [tilespmem:s24+$0x4570];
	s6 =	sadd.s32 $0x100, s28  }
0x1e6: {  	p0 =	sne.s32 s28, $0x3F00;
	s26 =	sor.u32 s26, s7;
	v12 =	vadd.f32 v12, v13;
	v13 =	vld [tilespmem:s24+$0xC570]  }
0x1e7: {  	v6 =	vadd.f32 v8, v6;
	v8 =	vmul.f32 v8, v8;
	v9 =	vsub.f32 v9, v7;
	v16 =	vld [tilespmem:s26+$0x4100]  }
0x1e8: {  	v12 =	vadd.f32 v14, v12;
	v17 =	vld [tilespmem:s26+$0xC100]  }
0x1e9: {  	v14 =	vld [tilespmem:s26+$0x4110];
	[tilespmem:s24+$0x4540] =	vst v6;
	v6 =	vadd.f32 v9, v7;
	v7 =	vmul.f32 v9, v9;
	v9 =	vsub.f32 v11, v10  }
0x1ea: {  	v8 =	vadd.f32 v8, v12;
	v11 =	vld [tilespmem:s26+$0xC110]  }
0x1eb: {  	v12 =	vld [tilespmem:s26+$0x4120];
	[tilespmem:s24+$0x4550] =	vst v6;
	v6 =	vadd.f32 v9, v10;
	v9 =	vmul.f32 v9, v9;
	v10 =	vsub.f32 v15, v13  }
0x1ec: {  	v7 =	vadd.f32 v7, v8;
	v15 =	vld [tilespmem:s26+$0xC120]  }
0x1ed: {  	v8 =	vsub.f32 v16, v17;
	v16 =	vld [tilespmem:s26+$0x4130];
	[tilespmem:s24+$0x4560] =	vst v6;
	v6 =	vadd.f32 v10, v13;
	v10 =	vmul.f32 v10, v10  }
0x1ee: {  	v7 =	vadd.f32 v9, v7;
	v13 =	vld [tilespmem:s26+$0xC130]  }
0x1ef: {  	v9 =	vadd.f32 v8, v17;
	v8 =	vmul.f32 v8, v8;
	v14 =	vsub.f32 v14, v11;
	v17 =	vld [tilespmem:s26+$0x4140];
	[tilespmem:s24+$0x4570] =	vst v6  }
0x1f0: {  	v7 =	vadd.f32 v10, v7;
	v6 =	vld [tilespmem:s26+$0xC140]  }
0x1f1: {  	[tilespmem:s26+$0x4100] =	vst v9;
	v9 =	vadd.f32 v14, v11;
	v10 =	vmul.f32 v14, v14;
	v11 =	vsub.f32 v12, v15;
	v12 =	vld [tilespmem:s26+$0x4150]  }
0x1f2: {  	v7 =	vadd.f32 v8, v7;
	v8 =	vld [tilespmem:s26+$0xC150]  }
0x1f3: {  	[tilespmem:s26+$0x4110] =	vst v9;
	v9 =	vadd.f32 v11, v15;
	v11 =	vmul.f32 v11, v11;
	v14 =	vsub.f32 v16, v13;
	v15 =	vld [tilespmem:s26+$0x4160]  }
0x1f4: {  	v7 =	vadd.f32 v10, v7;
	v10 =	vld [tilespmem:s26+$0xC160]  }
0x1f5: {  	[tilespmem:s26+$0x4120] =	vst v9;
	v9 =	vadd.f32 v14, v13;
	v13 =	vmul.f32 v14, v14;
	v14 =	vsub.f32 v17, v6;
	v16 =	vld [tilespmem:s26+$0x4170]  }
0x1f6: {  	v7 =	vadd.f32 v11, v7;
	v11 =	vld [tilespmem:s26+$0xC170]  }
0x1f7: {  	[tilespmem:s26+$0x4130] =	vst v9;
	v6 =	vadd.f32 v14, v6;
	v9 =	vmul.f32 v14, v14;
	v14 =	vld [tilespmem:s26+$0x4500]  }
0x1f8: {  	v7 =	vadd.f32 v13, v7;
	v12 =	vsub.f32 v12, v8;
	v13 =	vld [tilespmem:s26+$0xC500]  }
0x1f9: {  	v3 =	vadd.f32 v5, v3;
	[tilespmem:s26+$0x4140] =	vst v6;
	v6 =	vsub.f32 v15, v10;
	v15 =	vld [tilespmem:s26+$0x4510]  }
0x1fa: {  	v5 =	vadd.f32 v9, v7;
	v7 =	vadd.f32 v12, v8;
	v8 =	vmul.f32 v12, v12;
	v9 =	vld [tilespmem:s26+$0xC510];
	[tilespmem:s24+$0x4520] =	vst v4  }
0x1fb: {  	v4 =	vadd.f32 v6, v10;
	v6 =	vmul.f32 v6, v6;
	v10 =	vsub.f32 v16, v11;
	v12 =	vld [tilespmem:s26+$0x4520];
	[tilespmem:s24+$0x4530] =	vst v3;
	s24 =	smov.u32 s26  }
0x1fc: {  	v3 =	vadd.f32 v8, v5;
	[tilespmem:s24+$0x4150] =	vst v7;
	v5 =	vld [tilespmem:s24+$0xC520]  }
0x1fd: {  	[tilespmem:s24+$0x4160] =	vst v4;
	v4 =	vadd.f32 v10, v11;
	v7 =	vmul.f32 v10, v10;
	v8 =	vsub.f32 v14, v13;
	v10 =	vld [tilespmem:s24+$0x4530]  }
0x1fe: {  	v6 =	vadd.f32 v6, v3;
	v3 =	vld [tilespmem:s24+$0xC530]  }
0x1ff: {  	[tilespmem:s24+$0x4170] =	vst v4;
	v4 =	vadd.f32 v8, v13;
	v11 =	vmul.f32 v8, v8;
	v13 =	vsub.f32 v15, v9;
	v8 =	vld [tilespmem:s24+$0x4540]  }
.Ltmp3:
0x200: {  	v7 =	vadd.f32 v7, v6;
	v6 =	vld [tilespmem:s24+$0xC540];
	(pc) =	sbr.rel @p0 .LBB2_8-.Ltmp3, $4  }
0x201: {  	[tilespmem:s24+$0x4500] =	vst v4;
	v4 =	vadd.f32 v13, v9;
	v13 =	vmul.f32 v13, v13;
	v12 =	vsub.f32 v12, v5;
	v9 =	vld [tilespmem:s24+$0x4550]  }
0x202: {  	v14 =	vadd.f32 v11, v7;
	v7 =	vld [tilespmem:s24+$0xC550]  }
0x203: {  	[tilespmem:s24+$0x4510] =	vst v4;
	v4 =	vadd.f32 v12, v5;
	v12 =	vmul.f32 v12, v12;
	v5 =	vsub.f32 v10, v3;
	v11 =	vld [tilespmem:s24+$0x4560]  }
0x204: {  	s5 =	sadd.s32 $0x80, s5;
	s28 =	smov.u32 s6;
	v13 =	vadd.f32 v13, v14;
	v10 =	vld [tilespmem:s24+$0xC560]  }
0x205: {  	v14 =	vld [tilespmem:s24+$0x4570]  }
0x206: {  	v15 =	vld [tilespmem:s24+$0xC570];
	_ =	sdelay $0x1  }
0x207: {  	v8 =	vsub.f32 v8, v6;
	v3 =	vadd.f32 v5, v3  }
0x208: {  	v12 =	vadd.f32 v12, v13;
	v9 =	vsub.f32 v9, v7  }
0x209: {  	[tilespmem:s24+$0x4520] =	vst v4;
	v6 =	vadd.f32 v8, v6;
	v11 =	vsub.f32 v11, v10  }
0x20a: {  	v57 =	vmul.f32 v5, v5;
	[tilespmem:s24+$0x4530] =	vst v3;
	v7 =	vadd.f32 v9, v7;
	v14 =	vsub.f32 v14, v15  }
0x20b: {  	[tilespmem:s24+$0x4540] =	vst v6;
	v56 =	vadd.f32 v11, v10  }
0x20c: {  	v59 =	vmul.f32 v8, v8;
	v60 =	vadd.f32 v57, v12;
	[tilespmem:s24+$0x4550] =	vst v7;
	v58 =	vadd.f32 v14, v15  }
0x20d: {  	[tilespmem:s24+$0x4560] =	vst v56  }
0x20e: {  	v61 =	vmul.f32 v9, v9;
	v62 =	vadd.f32 v59, v60;
	[tilespmem:s24+$0x4570] =	vst v58  }
0x20f: {  	[hbm4b:s12+s2] =	stream.linear.scatter [tilespmem:s25], [sflag:$0x6], $0x4000, $0x38;
	[tilespmem:$0x10180] =	vst v63  }
0x210: {  	v3 =	vmul.f32 v11, v11;
	v4 =	vadd.f32 v61, v62;
	_ =	swait.ge [sflag:s20], $0x4000  }
0x211: {  	[sflag:s20] =	ssyncset.done $0x0  }
0x212: {  	v63 =	vmul.f32 v14, v14;
	v3 =	vadd.f32 v3, v4;
	[sflag:s20] =	ssyncadd.s32 $0xFFFFC000  }
0x213: {  	_ =	swait.ge [sflag:s4], $0x4000  }
0x214: {  	s23 =	sadd.s32 $0x1, s23;
	v3 =	vadd.f32 v63, v3;
	[sflag:s4] =	ssyncset.done $0x0  }
0x215: {  	p0 =	sne.s32 s23, s14;
	[sflag:s4] =	ssyncadd.s32 $0xFFFFC000  }
.Ltmp4:
0x216: {  	s5 =	simm.s32 $0x10100;
	[tilespmem:$0x10100] =	vst v3;
	(pc) =	sbr.rel @p0 .LBB2_1-.Ltmp4, $4  }
0x217: {  	[hbm4b:s13+s2] =	stream.linear.scatter [tilespmem:s5], [sflag:$0x7], $0x80, $0x38;
	[tilespmem:$0x10180] =	vst v63  }
0x218: {  	_ =	swait.ge [sflag:s15], $0x80  }
0x219: {  	[sflag:s15] =	ssyncset.done $0x0  }
0x21a: {  	[sflag:s15] =	ssyncadd.s32 $0xFFFFFF80  }
0x21b: {  	_ =	sfence.sel $0x180000  }
0x21c: {  	[bflag:$0x0] =	sbarrier.arrive $0xFFFF  }
0x21d: {  	_ =	strace $0x90000047  }
0x21e: {  	s0 =	stileid.u32;
	[bflag:$0x2] =	sbarrier.arrive $0xFFFF  }
0x21f: {  	p0 =	sne.s32 s0, $0x0;
	s0 =	rddreg [dreg:$0x3]  }
0x220: {  	s0 =	sadd.s32 @!p0 $0x100000, s0  }
0x221: {  	[sflag:s0] =	ssyncadd.tile.s32 @!p0 $0x1;
	_ =	shalt  }
.Lfunc_end2:
_tile_overlayer_lowered:
.L_overlay_start_2:
0x222: {  	(tag) =	ssettag $0x2  }
0x223: {  	s0 =	rddreg [dreg:$0x0];
	s2 =	stileid.u32  }
0x224: {  	s1 =	rddreg [dreg:$0x1];
	p0 =	sne.s32 s2, $0x0  }
0x225: {  	s3 =	rddreg [dreg:$0x2];
	[bflag:$0x3] =	sbarrier.arrive $0xFFFF;
	s2 =	simm.s32 @!p0 $0x1C07  }
0x226: {  	[timem:s3], [sflag:s2] =	dma.local @!p0 [hbm:s0], s1  }
0x227: {  	s0 =	simm.s32 @!p0 $0x7  }
0x228: {  	_ =	swait.ge @!p0 [sflag:s0], s1  }
0x229: {  	s1 =	ssub.s32 @!p0 $0x0, s1;
	[sflag:s0] =	ssyncset.done @!p0 $0x0  }
0x22a: {  	[sflag:s0] =	ssyncadd.s32 @!p0 s1  }
0x22b: {  	[bflag:$0x3] =	sbarrier.arrive $0xFFFF  }
0x22c: {  	_ =	shalt  }

</sc_bundles>
